<compile_context>
chip_gen: v7x
topology: tpu7x:2x2x1
jax: 0.10.2.dev20260603
libtpu: 0.0.44.dev20260713+nightly
codegen_flags: <defaults>
</compile_context>

<pallas_src>
import functools

import jax
import jax.numpy as jnp
import numpy as np
from jax import lax
from jax.experimental import pallas as pl
from jax.experimental.pallas import tpu as pltpu
from jax.experimental.pallas import tpu_sc as plsc

EPS = 1e-6
BLK = 256
BLKF = 128
NC, NS, L = 2, 16, 16


def _rot_perm(hd):
    h = hd // 2
    eye = np.eye(h, dtype=np.float32)
    z = np.zeros((h, h), np.float32)
    return np.block([[z, eye], [-eye, z]])


def _prelude_body(x_ref, anw_ref, wq_ref, wk_ref, wv_ref, qnw_ref, knw_ref,
                  c_ref, s_ref, pq_ref, pk_ref, hq_ref, hqt_ref,
                  hk_ref, hkt_ref, q_ref, k_ref, v_ref, *, hd, nq, nkv):
    xs = x_ref[...]
    a = xs * jax.lax.rsqrt(jnp.mean(xs * xs, axis=-1, keepdims=True) + EPS)
    a = (a * anw_ref[...]).astype(jnp.bfloat16)
    cb = c_ref[...]
    sb = s_ref[...]

    def qk_path(w_ref, nw_ref, p_ref, h_ref, ht_ref, nh):
        q = jnp.dot(a, w_ref[...].astype(jnp.bfloat16),
                    preferred_element_type=jnp.float32)
        ss = jnp.dot(q * q, h_ref[...], preferred_element_type=jnp.float32)
        rs = jax.lax.rsqrt(ss / hd + EPS)
        qn = q * jnp.dot(rs, ht_ref[...], preferred_element_type=jnp.float32)
        qn = qn * nw_ref[...]
        qr = jnp.dot(qn.astype(jnp.bfloat16), p_ref[...],
                     preferred_element_type=jnp.float32)
        c = jnp.concatenate([cb] * nh, axis=1)
        s = jnp.concatenate([sb] * nh, axis=1)
        return (qn * c + qr * s).astype(jnp.bfloat16)

    q_ref[...] = (qk_path(wq_ref, qnw_ref, pq_ref, hq_ref, hqt_ref, nq)
                  .astype(jnp.float32) * (1.0 / hd ** 0.5)).astype(jnp.bfloat16)
    k_ref[...] = qk_path(wk_ref, knw_ref, pk_ref, hk_ref, hkt_ref, nkv)
    v_ref[...] = jnp.dot(a, wv_ref[...].astype(jnp.bfloat16),
                         preferred_element_type=jnp.float32).astype(jnp.bfloat16)


def _attnpost_body(q_ref, k_ref, v_ref, wo_ref, x_ref, fnw_ref, rw_ref,
                   x2_ref, m_ref, wa_ref, wb_ref, posa_ref, posb_ref, be_ref,
                   oa_ref, ob_ref, *, hd, nq, rep, ne, nblk, nt, blk):
    qs = q_ref[...]
    ks = k_ref[...]
    vs = v_ref[...]
    outs = []
    for h in range(nq):
        g = h // rep
        q = qs[:, h * hd:(h + 1) * hd]
        k = ks[:, g * hd:(g + 1) * hd]
        v = vs[:, g * hd:(g + 1) * hd]
        s = jax.lax.dot_general(q, k, (((1,), (1,)), ((), ())),
                                preferred_element_type=jnp.float32)
        e = jnp.exp(s)
        r = 1.0 / jnp.sum(e, axis=-1, keepdims=True)
        c = jnp.dot(e.astype(jnp.bfloat16), v,
                    preferred_element_type=jnp.float32)
        outs.append((c * r).astype(jnp.bfloat16))
    ctx = jnp.concatenate(outs, axis=1)
    x2 = x_ref[...] + jnp.dot(ctx, wo_ref[...].astype(jnp.bfloat16),
                              preferred_element_type=jnp.float32)
    x2_ref[...] = x2
    mm = x2 * jax.lax.rsqrt(jnp.mean(x2 * x2, axis=-1, keepdims=True) + EPS)
    mm = mm * fnw_ref[...]
    m_ref[...] = mm
    logits = jnp.dot(mm, rw_ref[...], preferred_element_type=jnp.float32)
    mx = jnp.max(logits, axis=-1, keepdims=True)
    ex = jnp.exp(logits - mx)
    g = ex / jnp.sum(ex, axis=-1, keepdims=True)
    it = jax.lax.broadcasted_iota(jnp.int32, g.shape, 1)
    m1 = jnp.max(g, axis=-1, keepdims=True)
    i1 = jnp.min(jnp.where(g == m1, it, ne), axis=-1, keepdims=True)
    g2 = jnp.where(it == i1, -jnp.inf, g)
    m2 = jnp.max(g2, axis=-1, keepdims=True)
    i2 = jnp.min(jnp.where(g2 == m2, it, ne), axis=-1, keepdims=True)
    i = pl.program_id(0)
    oa_ref[pl.ds(i * blk, blk), :] = (it == i1).astype(jnp.float32)
    ob_ref[pl.ds(i * blk, blk), :] = (it == i2).astype(jnp.float32)
    wa_ref[...] = m1[:, 0]
    wb_ref[...] = m2[:, 0]

    @pl.when(i == nt - 1)
    def _route():
        _route_math(oa_ref[...], ob_ref[...], posa_ref, posb_ref, be_ref,
                    ne=ne, nblk=nblk)


def _route_math(oa, ob, posa_ref, posb_ref, be_ref, *, ne, nblk):
    t = oa.shape[0]
    oab = oa.astype(jnp.bfloat16)
    obb = ob.astype(jnp.bfloat16)
    tio_r = jax.lax.broadcasted_iota(jnp.int32, (t, t), 0)
    tio_c = jax.lax.broadcasted_iota(jnp.int32, (t, t), 1)
    ls = (tio_c < tio_r).astype(jnp.bfloat16)
    ra = jnp.dot(ls, oab, preferred_element_type=jnp.float32)
    rb = jnp.dot(ls, obb, preferred_element_type=jnp.float32)
    tot_a = jnp.sum(oa, axis=0, keepdims=True)
    cnt = tot_a + jnp.sum(ob, axis=0, keepdims=True)
    blocks = jnp.floor((cnt + (BLKF - 1)) * (1.0 / BLKF))
    eiota_r = jax.lax.broadcasted_iota(jnp.int32, (ne, ne), 0)
    eiota_c = jax.lax.broadcasted_iota(jnp.int32, (ne, ne), 1)
    m8 = (eiota_r < eiota_c).astype(jnp.float32)
    sblk = jnp.dot(blocks, m8, preferred_element_type=jnp.float32)
    spad = sblk * BLKF
    posa = jnp.sum(oa * (ra + spad), axis=1)
    posb = jnp.sum(ob * (rb + tot_a + spad), axis=1)
    posa_ref[...] = posa.astype(jnp.int32)
    posb_ref[...] = posb.astype(jnp.int32)
    cnt_t = jax.lax.dot_general(oa + ob, jnp.ones((t, 1), jnp.float32),
                                (((0,), (0,)), ((), ())),
                                preferred_element_type=jnp.float32)
    blocks_t = jnp.floor((cnt_t + (BLKF - 1)) * (1.0 / BLKF))
    m8l = (eiota_c < eiota_r).astype(jnp.float32)
    sblk_t = jnp.dot(m8l, blocks_t, preferred_element_type=jnp.float32)
    biota = jax.lax.broadcasted_iota(jnp.int32, (ne, nblk), 1).astype(jnp.float32)
    ge = (biota >= sblk_t).astype(jnp.float32)
    be = jnp.sum(ge, axis=0, keepdims=True) - 1.0
    total = jnp.sum(blocks_t)
    biota1 = jax.lax.broadcasted_iota(jnp.int32, (1, nblk), 1).astype(jnp.float32)
    be = jnp.where(biota1 < total, be, -1.0)
    be_ref[...] = be[0].astype(jnp.int32)


def _gffn_body(be_ref, xg_ref, wg_ref, wi_ref, woe_ref, y_ref):
    b = pl.program_id(0)

    @pl.when(be_ref[b] >= 0)
    def _compute():
        mb = xg_ref[...].astype(jnp.bfloat16)
        g = jnp.dot(mb, wg_ref[0].astype(jnp.bfloat16),
                    preferred_element_type=jnp.float32)
        u = jnp.dot(mb, wi_ref[0].astype(jnp.bfloat16),
                    preferred_element_type=jnp.float32)
        h = (g * jax.nn.sigmoid(g) * u).astype(jnp.bfloat16)
        y_ref[...] = jnp.dot(h, woe_ref[0].astype(jnp.bfloat16),
                             preferred_element_type=jnp.float32)


def _sc_mesh():
    return plsc.VectorSubcoreMesh(core_axis_name="c", subcore_axis_name="s",
                                  num_cores=NC, num_subcores=NS)


def _sc_dispatch(pos_all, m, *, nrows, t, dim, nslots):
    nw = NC * NS
    spt = nslots // nw
    nch = 4
    ch = spt // nch

    @functools.partial(
        pl.kernel,
        out_type=jax.ShapeDtypeStruct((nrows, dim), jnp.float32),
        mesh=_sc_mesh(),
        scratch_types=([pltpu.VMEM((ch,), jnp.int32) for _ in range(nch)]
                       + [pltpu.VMEM((ch, dim), jnp.float32),
                          pltpu.VMEM((ch, dim), jnp.float32),
                          pltpu.SemaphoreType.DMA,
                          pltpu.SemaphoreType.DMA]),
        compiler_params=pltpu.CompilerParams(needs_layout_passes=False),
    )
    def _dispatch(pos_hbm, m_hbm, xg_hbm, *refs):
        idxs = refs[:nch]
        bufs = refs[nch:nch + 2]
        sems = refs[nch + 2:]
        wid = lax.axis_index("s") * NC + lax.axis_index("c")
        base = wid * spt
        tok0 = base % t
        cps = []
        for ci in range(nch):
            buf = bufs[ci % 2]
            if ci >= 2:
                cps[ci - 2].wait()
            pltpu.sync_copy(pos_hbm.at[pl.ds(base + ci * ch, ch)], idxs[ci])
            pltpu.sync_copy(m_hbm.at[pl.ds(tok0 + ci * ch, ch)], buf)
            cps.append(pltpu.async_copy(buf, xg_hbm.at[idxs[ci]],
                                        sems[ci % 2]))
        cps[nch - 2].wait()
        cps[nch - 1].wait()

    return _dispatch(pos_all, m)


def _sc_combine(pos_all, y, *, dim, nslots):
    nw = NC * NS
    spt = nslots // nw
    nch = 4
    ch = spt // nch

    @functools.partial(
        pl.kernel,
        out_type=jax.ShapeDtypeStruct((nslots, dim), jnp.float32),
        mesh=_sc_mesh(),
        scratch_types=[pltpu.VMEM((spt,), jnp.int32),
                       pltpu.VMEM((ch, dim), jnp.float32),
                       pltpu.VMEM((ch, dim), jnp.float32),
                       pltpu.SemaphoreType.DMA,
                       pltpu.SemaphoreType.DMA],
        compiler_params=pltpu.CompilerParams(needs_layout_passes=False),
    )
    def _combine(pos_hbm, y_hbm, yg_hbm, idx_v, buf_a, buf_b, sem_a, sem_b):
        bufs = (buf_a, buf_b)
        sems = (sem_a, sem_b)
        wid = lax.axis_index("s") * NC + lax.axis_index("c")
        base = wid * spt
        pltpu.sync_copy(pos_hbm.at[pl.ds(base, spt)], idx_v)
        cps = []
        for ci in range(nch):
            buf = bufs[ci % 2]
            if ci >= 2:
                cps[ci - 2].wait()
                pltpu.sync_copy(buf, yg_hbm.at[pl.ds(base + (ci - 2) * ch, ch)])
            cps.append(pltpu.async_copy(
                y_hbm.at[idx_v.at[pl.ds(ci * ch, ch)]], buf, sems[ci % 2]))
        for ci in range(nch - 2, nch):
            cps[ci].wait()
            pltpu.sync_copy(bufs[ci % 2], yg_hbm.at[pl.ds(base + ci * ch, ch)])

    return _combine(pos_all, y)


def _final_body(x2_ref, ya_ref, yb_ref, wa_ref, wb_ref, o_ref):
    wa = jnp.reshape(wa_ref[...], (-1, 1))
    wb = jnp.reshape(wb_ref[...], (-1, 1))
    o_ref[...] = x2_ref[...] + wa * ya_ref[...] + wb * yb_ref[...]


def kernel(x, attn_norm_w, Wq, Wk, Wv, Wo, q_norm_w, k_norm_w, ffn_norm_w,
           Wi, Wg, Woe, router_w, cos, sin):
    b, t, dim = x.shape
    nq = Wq.shape[1] // cos.shape[1]
    nkv = Wk.shape[1] // cos.shape[1]
    hd = cos.shape[1]
    ne, _, hid = Wi.shape
    blk = min(BLK, t)
    nt = t // blk
    nslots = 2 * t
    nblk = nslots // BLKF + ne
    nrows = nblk * BLKF

    x2d = x.reshape(t, dim)
    bf = jnp.bfloat16
    f32 = jnp.float32
    wi_b, wg_b, woe_b = Wi, Wg, Woe

    p64 = _rot_perm(hd)
    pq = jnp.asarray(np.kron(np.eye(nq, dtype=np.float32), p64), bf)
    pk = jnp.asarray(np.kron(np.eye(nkv, dtype=np.float32), p64), bf)
    hq = jnp.asarray(np.kron(np.eye(nq, dtype=np.float32),
                             np.ones((hd, 1), np.float32)))
    hk = jnp.asarray(np.kron(np.eye(nkv, dtype=np.float32),
                             np.ones((hd, 1), np.float32)))
    qnw = jnp.tile(q_norm_w, (nq,)).reshape(1, nq * hd)
    knw = jnp.tile(k_norm_w, (nkv,)).reshape(1, nkv * hd)
    anw = attn_norm_w.reshape(1, dim)
    fnw = ffn_norm_w.reshape(1, dim)

    dq, dkv = nq * hd, nkv * hd
    rep = nq // nkv

    full = lambda shape: pl.BlockSpec(shape, lambda *_: (0,) * len(shape))
    rowblk = lambda w: pl.BlockSpec((blk, w), lambda i: (i, 0))

    q, k, v = pl.pallas_call(
        functools.partial(_prelude_body, hd=hd, nq=nq, nkv=nkv),
        grid=(nt,),
        in_specs=[
            rowblk(dim), full((1, dim)), full((dim, dq)), full((dim, dkv)),
            full((dim, dkv)), full((1, dq)), full((1, dkv)),
            rowblk(hd), rowblk(hd),
            full((dq, dq)), full((dkv, dkv)),
            full((dq, nq)), full((nq, dq)), full((dkv, nkv)), full((nkv, dkv)),
        ],
        out_specs=[rowblk(dq), rowblk(dkv), rowblk(dkv)],
        out_shape=[
            jax.ShapeDtypeStruct((t, dq), bf),
            jax.ShapeDtypeStruct((t, dkv), bf),
            jax.ShapeDtypeStruct((t, dkv), bf),
        ],
    )(x2d, anw, Wq, Wk, Wv, qnw, knw, cos, sin,
      pq, pk, hq, hq.T, hk, hk.T)

    x2, m, wa, wb, posa, posb, be = pl.pallas_call(
        functools.partial(_attnpost_body, hd=hd, nq=nq, rep=rep, ne=ne,
                          nblk=nblk, nt=nt, blk=blk),
        grid=(nt,),
        in_specs=[rowblk(dq), full((t, dkv)), full((t, dkv)),
                  full((dq, dim)), rowblk(dim), full((1, dim)),
                  full((dim, ne))],
        out_specs=[rowblk(dim), rowblk(dim),
                   pl.BlockSpec((blk,), lambda i: (i,)),
                   pl.BlockSpec((blk,), lambda i: (i,)),
                   pl.BlockSpec((t,), lambda i: (0,)),
                   pl.BlockSpec((t,), lambda i: (0,)),
                   pl.BlockSpec((nblk,), lambda i: (0,))],
        out_shape=[
            jax.ShapeDtypeStruct((t, dim), f32),
            jax.ShapeDtypeStruct((t, dim), f32),
            jax.ShapeDtypeStruct((t,), f32),
            jax.ShapeDtypeStruct((t,), f32),
            jax.ShapeDtypeStruct((t,), jnp.int32),
            jax.ShapeDtypeStruct((t,), jnp.int32),
            jax.ShapeDtypeStruct((nblk,), jnp.int32),
        ],
        scratch_shapes=[pltpu.VMEM((t, ne), f32), pltpu.VMEM((t, ne), f32)],
    )(q, k, v, Wo, x2d, fnw, router_w)

    pos_all = jnp.concatenate([posa, posb])
    xg = _sc_dispatch(pos_all, m, nrows=nrows, t=t, dim=dim, nslots=nslots)

    y = pl.pallas_call(
        _gffn_body,
        grid_spec=pltpu.PrefetchScalarGridSpec(
            num_scalar_prefetch=1,
            grid=(nblk,),
            in_specs=[
                pl.BlockSpec((BLKF, dim), lambda bi, be_s: (bi, 0)),
                pl.BlockSpec((1, dim, hid),
                             lambda bi, be_s: (jnp.maximum(be_s[bi], 0), 0, 0)),
                pl.BlockSpec((1, dim, hid),
                             lambda bi, be_s: (jnp.maximum(be_s[bi], 0), 0, 0)),
                pl.BlockSpec((1, hid, dim),
                             lambda bi, be_s: (jnp.maximum(be_s[bi], 0), 0, 0)),
            ],
            out_specs=pl.BlockSpec((BLKF, dim), lambda bi, be_s: (bi, 0)),
        ),
        out_shape=jax.ShapeDtypeStruct((nrows, dim), f32),
        compiler_params=pltpu.CompilerParams(
            dimension_semantics=("arbitrary",)),
    )(be, xg, wg_b, wi_b, woe_b)

    yg = _sc_combine(pos_all, y, dim=dim, nslots=nslots)
    ya, yb = yg[:t], yg[t:]

    out = pl.pallas_call(
        _final_body,
        grid=(nt,),
        in_specs=[rowblk(dim), rowblk(dim), rowblk(dim),
                  pl.BlockSpec((blk,), lambda i: (i,)),
                  pl.BlockSpec((blk,), lambda i: (i,))],
        out_specs=rowblk(dim),
        out_shape=jax.ShapeDtypeStruct((t, dim), f32),
    )(x2, ya, yb, wa, wb)

    return out.reshape(b, t, dim)

# --- scband reference (transcript-rebuilt; emitter-appended) ---
"""Pipeline reference for scband-decoder-block-38628935860430 (READ-ONLY COPY).

The authoritative reference and input builder live on the scoring server;
editing this copy changes nothing except your own understanding.
"""

import jax, jax.numpy as jnp
import numpy as np

B, T, DIM, NQ, NKV, HD, E, K, HID = 1, 2048, 1024, 16, 4, 64, 8, 2, 1024
EPS = 1e-6

def _rms(x, w):
    return w * x * jax.lax.rsqrt(jnp.mean(x * x, axis=-1, keepdims=True) + EPS)

def _rot_half(x):
    h = x.shape[-1] // 2
    return jnp.concatenate([-x[..., h:], x[..., :h]], axis=-1)

def setup_inputs(seed: int = 0):
    key = jax.random.key(seed)
    ks = jax.random.split(key, 12)
    s = 0.02
    inp = {}
    inp['x'] = jax.random.normal(ks[0], (B, T, DIM), jnp.float32)
    inp['attn_norm_w'] = jnp.ones((DIM,), jnp.float32)
    inp['Wq'] = jax.random.normal(ks[1], (DIM, NQ * HD), jnp.float32) * s
    inp['Wk'] = jax.random.normal(ks[2], (DIM, NKV * HD), jnp.float32) * s
    inp['Wv'] = jax.random.normal(ks[3], (DIM, NKV * HD), jnp.float32) * s
    inp['Wo'] = jax.random.normal(ks[4], (NQ * HD, DIM), jnp.float32) * s
    inp['q_norm_w'] = jnp.ones((HD,), jnp.float32)
    inp['k_norm_w'] = jnp.ones((HD,), jnp.float32)
    inp['ffn_norm_w'] = jnp.ones((DIM,), jnp.float32)
    inp['Wi'] = jax.random.normal(ks[5], (E, DIM, HID), jnp.float32) * s
    inp['Wg'] = jax.random.normal(ks[6], (E, DIM, HID), jnp.float32) * s
    inp['Woe'] = jax.random.normal(ks[7], (E, HID, DIM), jnp.float32) * s
    inp['router_w'] = jax.random.normal(ks[8], (DIM, E), jnp.float32) * s
    base = 5.0e6
    inv_freq = 1.0 / base ** (np.arange(0, HD, 2, dtype=np.float64) / HD)
    t = np.arange(T, dtype=np.float64)
    freqs = np.outer(t, inv_freq)
    emb = np.concatenate([freqs, freqs], axis=-1)
    inp['cos'] = jnp.asarray(np.cos(emb), jnp.float32)
    inp['sin'] = jnp.asarray(np.sin(emb), jnp.float32)
    return inp

def _forward(x, attn_norm_w, Wq, Wk, Wv, Wo, q_norm_w, k_norm_w, ffn_norm_w, Wi, Wg, Woe, router_w, cos, sin):
    a = _rms(x, attn_norm_w)
    q = (a @ Wq).reshape(B, T, NQ, HD)
    k = (a @ Wk).reshape(B, T, NKV, HD)
    v = (a @ Wv).reshape(B, T, NKV, HD)
    q = _rms(q, q_norm_w)
    k = _rms(k, k_norm_w)
    c = cos[None, :, None, :]
    sn = sin[None, :, None, :]
    q = q * c + _rot_half(q) * sn
    k = k * c + _rot_half(k) * sn
    rep = NQ // NKV
    k = jnp.repeat(k, rep, axis=2)
    v = jnp.repeat(v, rep, axis=2)
    q = q.transpose(0, 2, 1, 3)
    k = k.transpose(0, 2, 1, 3)
    v = v.transpose(0, 2, 1, 3)
    scores = (q @ k.transpose(0, 1, 3, 2)) / jnp.sqrt(jnp.float32(HD))
    probs = jax.nn.softmax(scores, axis=-1)
    ctx = probs @ v
    ctx = ctx.transpose(0, 2, 1, 3).reshape(B, T, NQ * HD)
    x = x + ctx @ Wo
    m = _rms(x, ffn_norm_w)
    xf = m.reshape(B * T, DIM)
    gates = jax.nn.softmax(xf @ router_w, axis=-1)
    vals, idx = jax.lax.top_k(gates, K)
    up = jnp.einsum('tc,ech->teh', xf, Wi)
    gt = jnp.einsum('tc,ech->teh', xf, Wg)
    h = jax.nn.silu(gt) * up
    y = jnp.einsum('teh,ehc->tec', h, Woe)
    comb = jnp.sum(jax.nn.one_hot(idx, E, dtype=xf.dtype) * vals[..., None], axis=1)
    out = jnp.einsum('te,tec->tc', comb, y).reshape(B, T, DIM)
    return x + out

def reference(x, attn_norm_w, Wq, Wk, Wv, Wo, q_norm_w, k_norm_w, ffn_norm_w, Wi, Wg, Woe, router_w, cos, sin):
    return _forward(x, attn_norm_w, Wq, Wk, Wv, Wo, q_norm_w, k_norm_w, ffn_norm_w, Wi, Wg, Woe, router_w, cos, sin)

if __name__ == "__main__":
    import jax
    _d = setup_inputs()
    print(jax.jit(kernel)(*tuple(_d.values())))

</pallas_src>

<mosaic_0001>
#map = affine_map<(d0, d1) -> (0)>
#map1 = affine_map<(d0, d1) -> (0, 0)>
module attributes {stable_mosaic.version = 14 : i64} {
  func.func @_combine(%arg0: i32, %arg1: i32, %arg2: memref<4096xi32, #tpu.memory_space<hbm>>, %arg3: memref<5120x1024xf32, #tpu.memory_space<hbm>>, %arg4: memref<4096x1024xf32, #tpu.memory_space<hbm>>, %arg5: memref<128xi32, #tpu.memory_space<vmem>>, %arg6: memref<32x1024xf32, #tpu.memory_space<vmem>>, %arg7: memref<32x1024xf32, #tpu.memory_space<vmem>>, %arg8: memref<!tpu.dma_semaphore, #tpu.memory_space<semaphore_mem>>, %arg9: memref<!tpu.dma_semaphore, #tpu.memory_space<semaphore_mem>>) attributes {dimension_semantics = [#tpu.dimension_semantics<core_parallel>, #tpu.dimension_semantics<subcore_parallel>], iteration_bounds = array<i64: 2, 16>, scalar_prefetch = 0 : i64, scratch_operands = 5 : i64, tpu.core_type = #tpu.core_type<sc_vector_subcore>, window_params = [{transform_indices = #map}, {transform_indices = #map1}, {transform_indices = #map1}]} {
    %mul3A = arith.constant 2 : i32
    %mul3A_0 = arith.muli %arg1, %mul3A : i32
    %add3A = arith.addi %mul3A_0, %arg0 : i32
    %mul3A_1 = arith.constant 128 : i32
    %mul3A_2 = arith.muli %add3A, %mul3A_1 : i32
    "tpu.region"() ({
      %run_scoped3A = tpu.sem_alloc : memref<!tpu.dma_semaphore, #tpu.memory_space<semaphore_mem>>
      %dma_start3A_49 = tpu.memref_slice %arg2[%mul3A_2] : memref<4096xi32, #tpu.memory_space<hbm>> -> memref<128xi32, #tpu.memory_space<hbm>>
      %dma_start3A_50 = tpu.memref_slice %arg2[%mul3A_2] : memref<4096xi32, #tpu.memory_space<hbm>> -> memref<128xi32, #tpu.memory_space<hbm>>
      tpu.enqueue_dma source(%dma_start3A_50 : memref<128xi32, #tpu.memory_space<hbm>>) target(%arg5 : memref<128xi32, #tpu.memory_space<vmem>>) target_semaphore(%run_scoped3A : memref<!tpu.dma_semaphore, #tpu.memory_space<semaphore_mem>>)
      %dma_wait3A_51 = tpu.memref_slice %arg2[%mul3A_2] : memref<4096xi32, #tpu.memory_space<hbm>> -> memref<128xi32, #tpu.memory_space<hbm>>
      %dma_wait3A_52 = tpu.memref_slice %arg2[%mul3A_2] : memref<4096xi32, #tpu.memory_space<hbm>> -> memref<128xi32, #tpu.memory_space<hbm>>
      tpu.wait_dma2 semaphore(%run_scoped3A : memref<!tpu.dma_semaphore, #tpu.memory_space<semaphore_mem>>) src(%dma_wait3A_52 : memref<128xi32, #tpu.memory_space<hbm>>) dst(%arg5 : memref<128xi32, #tpu.memory_space<vmem>>)
      tpu.yield
    }) : () -> ()
    %dma_start3A = arith.constant 0 : i32
    %dma_start3A_3 = tpu.memref_slice %arg5[%dma_start3A] : memref<128xi32, #tpu.memory_space<vmem>> -> memref<32xi32, #tpu.memory_space<vmem>>
    %dma_start3A_4 = arith.constant 0 : i32
    %dma_start3A_5 = arith.constant 0 : i32
    %dma_start3A_6 = tpu.memref_slice %arg3[%dma_start3A_4, %dma_start3A_5] : memref<5120x1024xf32, #tpu.memory_space<hbm>> -> memref<5120x1024xf32, #tpu.memory_space<hbm>>
    tpu.enqueue_indirect_dma source(%dma_start3A_6 : memref<5120x1024xf32, #tpu.memory_space<hbm>>) target(%arg6 : memref<32x1024xf32, #tpu.memory_space<vmem>>) offsets(%dma_start3A_3 : memref<32xi32, #tpu.memory_space<vmem>>) semaphore(%arg8 : memref<!tpu.dma_semaphore, #tpu.memory_space<semaphore_mem>>)
    %dma_start3A_7 = arith.constant 32 : i32
    %dma_start3A_8 = tpu.memref_slice %arg5[%dma_start3A_7] : memref<128xi32, #tpu.memory_space<vmem>> -> memref<32xi32, #tpu.memory_space<vmem>>
    %dma_start3A_9 = arith.constant 0 : i32
    %dma_start3A_10 = arith.constant 0 : i32
    %dma_start3A_11 = tpu.memref_slice %arg3[%dma_start3A_9, %dma_start3A_10] : memref<5120x1024xf32, #tpu.memory_space<hbm>> -> memref<5120x1024xf32, #tpu.memory_space<hbm>>
    tpu.enqueue_indirect_dma source(%dma_start3A_11 : memref<5120x1024xf32, #tpu.memory_space<hbm>>) target(%arg7 : memref<32x1024xf32, #tpu.memory_space<vmem>>) offsets(%dma_start3A_8 : memref<32xi32, #tpu.memory_space<vmem>>) semaphore(%arg9 : memref<!tpu.dma_semaphore, #tpu.memory_space<semaphore_mem>>)
    %dma_wait3A = arith.constant 0 : i32
    %dma_wait3A_12 = tpu.memref_slice %arg5[%dma_wait3A] : memref<128xi32, #tpu.memory_space<vmem>> -> memref<32xi32, #tpu.memory_space<vmem>>
    %dma_wait3A_13 = arith.constant 0 : i32
    %dma_wait3A_14 = arith.constant 0 : i32
    %dma_wait3A_15 = tpu.memref_slice %arg3[%dma_wait3A_13, %dma_wait3A_14] : memref<5120x1024xf32, #tpu.memory_space<hbm>> -> memref<5120x1024xf32, #tpu.memory_space<hbm>>
    tpu.wait_indirect_dma semaphore(%arg8 : memref<!tpu.dma_semaphore, #tpu.memory_space<semaphore_mem>>) src(%dma_wait3A_15 : memref<5120x1024xf32, #tpu.memory_space<hbm>>) dst(%arg6 : memref<32x1024xf32, #tpu.memory_space<vmem>>)
    %add3A_16 = arith.constant 0 : i32
    %add3A_17 = arith.addi %mul3A_2, %add3A_16 : i32
    "tpu.region"() ({
      %run_scoped3A = tpu.sem_alloc : memref<!tpu.dma_semaphore, #tpu.memory_space<semaphore_mem>>
      %dma_start3A_49 = arith.constant 0 : i32
      %dma_start3A_50 = tpu.memref_slice %arg4[%add3A_17, %dma_start3A_49] : memref<4096x1024xf32, #tpu.memory_space<hbm>> -> memref<32x1024xf32, #tpu.memory_space<hbm>>
      %dma_start3A_51 = arith.constant 0 : i32
      %dma_start3A_52 = tpu.memref_slice %arg4[%add3A_17, %dma_start3A_51] : memref<4096x1024xf32, #tpu.memory_space<hbm>> -> memref<32x1024xf32, #tpu.memory_space<hbm>>
      tpu.enqueue_dma source(%arg6 : memref<32x1024xf32, #tpu.memory_space<vmem>>) target(%dma_start3A_52 : memref<32x1024xf32, #tpu.memory_space<hbm>>) target_semaphore(%run_scoped3A : memref<!tpu.dma_semaphore, #tpu.memory_space<semaphore_mem>>)
      %dma_wait3A_53 = arith.constant 0 : i32
      %dma_wait3A_54 = tpu.memref_slice %arg4[%add3A_17, %dma_wait3A_53] : memref<4096x1024xf32, #tpu.memory_space<hbm>> -> memref<32x1024xf32, #tpu.memory_space<hbm>>
      %dma_wait3A_55 = arith.constant 0 : i32
      %dma_wait3A_56 = tpu.memref_slice %arg4[%add3A_17, %dma_wait3A_55] : memref<4096x1024xf32, #tpu.memory_space<hbm>> -> memref<32x1024xf32, #tpu.memory_space<hbm>>
      tpu.wait_dma2 semaphore(%run_scoped3A : memref<!tpu.dma_semaphore, #tpu.memory_space<semaphore_mem>>) src(%arg6 : memref<32x1024xf32, #tpu.memory_space<vmem>>) dst(%dma_wait3A_56 : memref<32x1024xf32, #tpu.memory_space<hbm>>)
      tpu.yield
    }) : () -> ()
    %dma_start3A_18 = arith.constant 64 : i32
    %dma_start3A_19 = tpu.memref_slice %arg5[%dma_start3A_18] : memref<128xi32, #tpu.memory_space<vmem>> -> memref<32xi32, #tpu.memory_space<vmem>>
    %dma_start3A_20 = arith.constant 0 : i32
    %dma_start3A_21 = arith.constant 0 : i32
    %dma_start3A_22 = tpu.memref_slice %arg3[%dma_start3A_20, %dma_start3A_21] : memref<5120x1024xf32, #tpu.memory_space<hbm>> -> memref<5120x1024xf32, #tpu.memory_space<hbm>>
    tpu.enqueue_indirect_dma source(%dma_start3A_22 : memref<5120x1024xf32, #tpu.memory_space<hbm>>) target(%arg6 : memref<32x1024xf32, #tpu.memory_space<vmem>>) offsets(%dma_start3A_19 : memref<32xi32, #tpu.memory_space<vmem>>) semaphore(%arg8 : memref<!tpu.dma_semaphore, #tpu.memory_space<semaphore_mem>>)
    %dma_wait3A_23 = arith.constant 32 : i32
    %dma_wait3A_24 = tpu.memref_slice %arg5[%dma_wait3A_23] : memref<128xi32, #tpu.memory_space<vmem>> -> memref<32xi32, #tpu.memory_space<vmem>>
    %dma_wait3A_25 = arith.constant 0 : i32
    %dma_wait3A_26 = arith.constant 0 : i32
    %dma_wait3A_27 = tpu.memref_slice %arg3[%dma_wait3A_25, %dma_wait3A_26] : memref<5120x1024xf32, #tpu.memory_space<hbm>> -> memref<5120x1024xf32, #tpu.memory_space<hbm>>
    tpu.wait_indirect_dma semaphore(%arg9 : memref<!tpu.dma_semaphore, #tpu.memory_space<semaphore_mem>>) src(%dma_wait3A_27 : memref<5120x1024xf32, #tpu.memory_space<hbm>>) dst(%arg7 : memref<32x1024xf32, #tpu.memory_space<vmem>>)
    %add3A_28 = arith.constant 32 : i32
    %add3A_29 = arith.addi %mul3A_2, %add3A_28 : i32
    "tpu.region"() ({
      %run_scoped3A = tpu.sem_alloc : memref<!tpu.dma_semaphore, #tpu.memory_space<semaphore_mem>>
      %dma_start3A_49 = arith.constant 0 : i32
      %dma_start3A_50 = tpu.memref_slice %arg4[%add3A_29, %dma_start3A_49] : memref<4096x1024xf32, #tpu.memory_space<hbm>> -> memref<32x1024xf32, #tpu.memory_space<hbm>>
      %dma_start3A_51 = arith.constant 0 : i32
      %dma_start3A_52 = tpu.memref_slice %arg4[%add3A_29, %dma_start3A_51] : memref<4096x1024xf32, #tpu.memory_space<hbm>> -> memref<32x1024xf32, #tpu.memory_space<hbm>>
      tpu.enqueue_dma source(%arg7 : memref<32x1024xf32, #tpu.memory_space<vmem>>) target(%dma_start3A_52 : memref<32x1024xf32, #tpu.memory_space<hbm>>) target_semaphore(%run_scoped3A : memref<!tpu.dma_semaphore, #tpu.memory_space<semaphore_mem>>)
      %dma_wait3A_53 = arith.constant 0 : i32
      %dma_wait3A_54 = tpu.memref_slice %arg4[%add3A_29, %dma_wait3A_53] : memref<4096x1024xf32, #tpu.memory_space<hbm>> -> memref<32x1024xf32, #tpu.memory_space<hbm>>
      %dma_wait3A_55 = arith.constant 0 : i32
      %dma_wait3A_56 = tpu.memref_slice %arg4[%add3A_29, %dma_wait3A_55] : memref<4096x1024xf32, #tpu.memory_space<hbm>> -> memref<32x1024xf32, #tpu.memory_space<hbm>>
      tpu.wait_dma2 semaphore(%run_scoped3A : memref<!tpu.dma_semaphore, #tpu.memory_space<semaphore_mem>>) src(%arg7 : memref<32x1024xf32, #tpu.memory_space<vmem>>) dst(%dma_wait3A_56 : memref<32x1024xf32, #tpu.memory_space<hbm>>)
      tpu.yield
    }) : () -> ()
    %dma_start3A_30 = arith.constant 96 : i32
    %dma_start3A_31 = tpu.memref_slice %arg5[%dma_start3A_30] : memref<128xi32, #tpu.memory_space<vmem>> -> memref<32xi32, #tpu.memory_space<vmem>>
    %dma_start3A_32 = arith.constant 0 : i32
    %dma_start3A_33 = arith.constant 0 : i32
    %dma_start3A_34 = tpu.memref_slice %arg3[%dma_start3A_32, %dma_start3A_33] : memref<5120x1024xf32, #tpu.memory_space<hbm>> -> memref<5120x1024xf32, #tpu.memory_space<hbm>>
    tpu.enqueue_indirect_dma source(%dma_start3A_34 : memref<5120x1024xf32, #tpu.memory_space<hbm>>) target(%arg7 : memref<32x1024xf32, #tpu.memory_space<vmem>>) offsets(%dma_start3A_31 : memref<32xi32, #tpu.memory_space<vmem>>) semaphore(%arg9 : memref<!tpu.dma_semaphore, #tpu.memory_space<semaphore_mem>>)
    %dma_wait3A_35 = arith.constant 64 : i32
    %dma_wait3A_36 = tpu.memref_slice %arg5[%dma_wait3A_35] : memref<128xi32, #tpu.memory_space<vmem>> -> memref<32xi32, #tpu.memory_space<vmem>>
    %dma_wait3A_37 = arith.constant 0 : i32
    %dma_wait3A_38 = arith.constant 0 : i32
    %dma_wait3A_39 = tpu.memref_slice %arg3[%dma_wait3A_37, %dma_wait3A_38] : memref<5120x1024xf32, #tpu.memory_space<hbm>> -> memref<5120x1024xf32, #tpu.memory_space<hbm>>
    tpu.wait_indirect_dma semaphore(%arg8 : memref<!tpu.dma_semaphore, #tpu.memory_space<semaphore_mem>>) src(%dma_wait3A_39 : memref<5120x1024xf32, #tpu.memory_space<hbm>>) dst(%arg6 : memref<32x1024xf32, #tpu.memory_space<vmem>>)
    %add3A_40 = arith.constant 64 : i32
    %add3A_41 = arith.addi %mul3A_2, %add3A_40 : i32
    "tpu.region"() ({
      %run_scoped3A = tpu.sem_alloc : memref<!tpu.dma_semaphore, #tpu.memory_space<semaphore_mem>>
      %dma_start3A_49 = arith.constant 0 : i32
      %dma_start3A_50 = tpu.memref_slice %arg4[%add3A_41, %dma_start3A_49] : memref<4096x1024xf32, #tpu.memory_space<hbm>> -> memref<32x1024xf32, #tpu.memory_space<hbm>>
      %dma_start3A_51 = arith.constant 0 : i32
      %dma_start3A_52 = tpu.memref_slice %arg4[%add3A_41, %dma_start3A_51] : memref<4096x1024xf32, #tpu.memory_space<hbm>> -> memref<32x1024xf32, #tpu.memory_space<hbm>>
      tpu.enqueue_dma source(%arg6 : memref<32x1024xf32, #tpu.memory_space<vmem>>) target(%dma_start3A_52 : memref<32x1024xf32, #tpu.memory_space<hbm>>) target_semaphore(%run_scoped3A : memref<!tpu.dma_semaphore, #tpu.memory_space<semaphore_mem>>)
      %dma_wait3A_53 = arith.constant 0 : i32
      %dma_wait3A_54 = tpu.memref_slice %arg4[%add3A_41, %dma_wait3A_53] : memref<4096x1024xf32, #tpu.memory_space<hbm>> -> memref<32x1024xf32, #tpu.memory_space<hbm>>
      %dma_wait3A_55 = arith.constant 0 : i32
      %dma_wait3A_56 = tpu.memref_slice %arg4[%add3A_41, %dma_wait3A_55] : memref<4096x1024xf32, #tpu.memory_space<hbm>> -> memref<32x1024xf32, #tpu.memory_space<hbm>>
      tpu.wait_dma2 semaphore(%run_scoped3A : memref<!tpu.dma_semaphore, #tpu.memory_space<semaphore_mem>>) src(%arg6 : memref<32x1024xf32, #tpu.memory_space<vmem>>) dst(%dma_wait3A_56 : memref<32x1024xf32, #tpu.memory_space<hbm>>)
      tpu.yield
    }) : () -> ()
    %dma_wait3A_42 = arith.constant 96 : i32
    %dma_wait3A_43 = tpu.memref_slice %arg5[%dma_wait3A_42] : memref<128xi32, #tpu.memory_space<vmem>> -> memref<32xi32, #tpu.memory_space<vmem>>
    %dma_wait3A_44 = arith.constant 0 : i32
    %dma_wait3A_45 = arith.constant 0 : i32
    %dma_wait3A_46 = tpu.memref_slice %arg3[%dma_wait3A_44, %dma_wait3A_45] : memref<5120x1024xf32, #tpu.memory_space<hbm>> -> memref<5120x1024xf32, #tpu.memory_space<hbm>>
    tpu.wait_indirect_dma semaphore(%arg9 : memref<!tpu.dma_semaphore, #tpu.memory_space<semaphore_mem>>) src(%dma_wait3A_46 : memref<5120x1024xf32, #tpu.memory_space<hbm>>) dst(%arg7 : memref<32x1024xf32, #tpu.memory_space<vmem>>)
    %add3A_47 = arith.constant 96 : i32
    %add3A_48 = arith.addi %mul3A_2, %add3A_47 : i32
    "tpu.region"() ({
      %run_scoped3A = tpu.sem_alloc : memref<!tpu.dma_semaphore, #tpu.memory_space<semaphore_mem>>
      %dma_start3A_49 = arith.constant 0 : i32
      %dma_start3A_50 = tpu.memref_slice %arg4[%add3A_48, %dma_start3A_49] : memref<4096x1024xf32, #tpu.memory_space<hbm>> -> memref<32x1024xf32, #tpu.memory_space<hbm>>
      %dma_start3A_51 = arith.constant 0 : i32
      %dma_start3A_52 = tpu.memref_slice %arg4[%add3A_48, %dma_start3A_51] : memref<4096x1024xf32, #tpu.memory_space<hbm>> -> memref<32x1024xf32, #tpu.memory_space<hbm>>
      tpu.enqueue_dma source(%arg7 : memref<32x1024xf32, #tpu.memory_space<vmem>>) target(%dma_start3A_52 : memref<32x1024xf32, #tpu.memory_space<hbm>>) target_semaphore(%run_scoped3A : memref<!tpu.dma_semaphore, #tpu.memory_space<semaphore_mem>>)
      %dma_wait3A_53 = arith.constant 0 : i32
      %dma_wait3A_54 = tpu.memref_slice %arg4[%add3A_48, %dma_wait3A_53] : memref<4096x1024xf32, #tpu.memory_space<hbm>> -> memref<32x1024xf32, #tpu.memory_space<hbm>>
      %dma_wait3A_55 = arith.constant 0 : i32
      %dma_wait3A_56 = tpu.memref_slice %arg4[%add3A_48, %dma_wait3A_55] : memref<4096x1024xf32, #tpu.memory_space<hbm>> -> memref<32x1024xf32, #tpu.memory_space<hbm>>
      tpu.wait_dma2 semaphore(%run_scoped3A : memref<!tpu.dma_semaphore, #tpu.memory_space<semaphore_mem>>) src(%arg7 : memref<32x1024xf32, #tpu.memory_space<vmem>>) dst(%dma_wait3A_56 : memref<32x1024xf32, #tpu.memory_space<hbm>>)
      tpu.yield
    }) : () -> ()
    return
  }
}

#map = affine_map<(d0, d1) -> (0)>
#map1 = affine_map<(d0, d1) -> (0, 0)>
module attributes {stable_mosaic.version = 14 : i64} {
  func.func @_dispatch(%arg0: i32, %arg1: i32, %arg2: memref<4096xi32, #tpu.memory_space<hbm>>, %arg3: memref<2048x1024xf32, #tpu.memory_space<hbm>>, %arg4: memref<5120x1024xf32, #tpu.memory_space<hbm>>, %arg5: memref<32xi32, #tpu.memory_space<vmem>>, %arg6: memref<32xi32, #tpu.memory_space<vmem>>, %arg7: memref<32xi32, #tpu.memory_space<vmem>>, %arg8: memref<32xi32, #tpu.memory_space<vmem>>, %arg9: memref<32x1024xf32, #tpu.memory_space<vmem>>, %arg10: memref<32x1024xf32, #tpu.memory_space<vmem>>, %arg11: memref<!tpu.dma_semaphore, #tpu.memory_space<semaphore_mem>>, %arg12: memref<!tpu.dma_semaphore, #tpu.memory_space<semaphore_mem>>) attributes {dimension_semantics = [#tpu.dimension_semantics<core_parallel>, #tpu.dimension_semantics<subcore_parallel>], iteration_bounds = array<i64: 2, 16>, scalar_prefetch = 0 : i64, scratch_operands = 8 : i64, tpu.core_type = #tpu.core_type<sc_vector_subcore>, window_params = [{transform_indices = #map}, {transform_indices = #map1}, {transform_indices = #map1}]} {
    %mul3A = arith.constant 2 : i32
    %mul3A_0 = arith.muli %arg1, %mul3A : i32
    %add3A = arith.addi %mul3A_0, %arg0 : i32
    %mul3A_1 = arith.constant 128 : i32
    %mul3A_2 = arith.muli %add3A, %mul3A_1 : i32
    %jit3A = arith.constant 2048 : i32
    %eq3A = arith.constant 0 : i32
    %eq3A_3 = arith.cmpi eq, %jit3A, %eq3A : i32
    %jit3A_4 = arith.constant 1 : i32
    %select_n3A = arith.select %eq3A_3, %jit3A_4, %jit3A : i32
    %rem3A = arith.remsi %mul3A_2, %select_n3A : i32
    %ne3A = arith.constant 0 : i32
    %ne3A_5 = arith.cmpi ne, %rem3A, %ne3A : i32
    %lt3A = arith.constant 0 : i32
    %lt3A_6 = arith.cmpi slt, %rem3A, %lt3A : i32
    %lt3A_7 = arith.constant 0 : i32
    %lt3A_8 = arith.cmpi slt, %select_n3A, %lt3A_7 : i32
    %ne3A_9 = arith.xori %lt3A_6, %lt3A_8 : i1
    %and3A = arith.andi %ne3A_9, %ne3A_5 : i1
    %add3A_10 = arith.addi %rem3A, %select_n3A : i32
    %select_n3A_11 = arith.select %and3A, %add3A_10, %rem3A : i32
    %add3A_12 = arith.constant 0 : i32
    %add3A_13 = arith.addi %mul3A_2, %add3A_12 : i32
    "tpu.region"() ({
      %run_scoped3A = tpu.sem_alloc : memref<!tpu.dma_semaphore, #tpu.memory_space<semaphore_mem>>
      %dma_start3A_50 = tpu.memref_slice %arg2[%add3A_13] : memref<4096xi32, #tpu.memory_space<hbm>> -> memref<32xi32, #tpu.memory_space<hbm>>
      %dma_start3A_51 = tpu.memref_slice %arg2[%add3A_13] : memref<4096xi32, #tpu.memory_space<hbm>> -> memref<32xi32, #tpu.memory_space<hbm>>
      tpu.enqueue_dma source(%dma_start3A_51 : memref<32xi32, #tpu.memory_space<hbm>>) target(%arg5 : memref<32xi32, #tpu.memory_space<vmem>>) target_semaphore(%run_scoped3A : memref<!tpu.dma_semaphore, #tpu.memory_space<semaphore_mem>>)
      %dma_wait3A_52 = tpu.memref_slice %arg2[%add3A_13] : memref<4096xi32, #tpu.memory_space<hbm>> -> memref<32xi32, #tpu.memory_space<hbm>>
      %dma_wait3A_53 = tpu.memref_slice %arg2[%add3A_13] : memref<4096xi32, #tpu.memory_space<hbm>> -> memref<32xi32, #tpu.memory_space<hbm>>
      tpu.wait_dma2 semaphore(%run_scoped3A : memref<!tpu.dma_semaphore, #tpu.memory_space<semaphore_mem>>) src(%dma_wait3A_53 : memref<32xi32, #tpu.memory_space<hbm>>) dst(%arg5 : memref<32xi32, #tpu.memory_space<vmem>>)
      tpu.yield
    }) : () -> ()
    %add3A_14 = arith.constant 0 : i32
    %add3A_15 = arith.addi %select_n3A_11, %add3A_14 : i32
    "tpu.region"() ({
      %run_scoped3A = tpu.sem_alloc : memref<!tpu.dma_semaphore, #tpu.memory_space<semaphore_mem>>
      %dma_start3A_50 = arith.constant 0 : i32
      %dma_start3A_51 = tpu.memref_slice %arg3[%add3A_15, %dma_start3A_50] : memref<2048x1024xf32, #tpu.memory_space<hbm>> -> memref<32x1024xf32, #tpu.memory_space<hbm>>
      %dma_start3A_52 = arith.constant 0 : i32
      %dma_start3A_53 = tpu.memref_slice %arg3[%add3A_15, %dma_start3A_52] : memref<2048x1024xf32, #tpu.memory_space<hbm>> -> memref<32x1024xf32, #tpu.memory_space<hbm>>
      tpu.enqueue_dma source(%dma_start3A_53 : memref<32x1024xf32, #tpu.memory_space<hbm>>) target(%arg9 : memref<32x1024xf32, #tpu.memory_space<vmem>>) target_semaphore(%run_scoped3A : memref<!tpu.dma_semaphore, #tpu.memory_space<semaphore_mem>>)
      %dma_wait3A_54 = arith.constant 0 : i32
      %dma_wait3A_55 = tpu.memref_slice %arg3[%add3A_15, %dma_wait3A_54] : memref<2048x1024xf32, #tpu.memory_space<hbm>> -> memref<32x1024xf32, #tpu.memory_space<hbm>>
      %dma_wait3A_56 = arith.constant 0 : i32
      %dma_wait3A_57 = tpu.memref_slice %arg3[%add3A_15, %dma_wait3A_56] : memref<2048x1024xf32, #tpu.memory_space<hbm>> -> memref<32x1024xf32, #tpu.memory_space<hbm>>
      tpu.wait_dma2 semaphore(%run_scoped3A : memref<!tpu.dma_semaphore, #tpu.memory_space<semaphore_mem>>) src(%dma_wait3A_57 : memref<32x1024xf32, #tpu.memory_space<hbm>>) dst(%arg9 : memref<32x1024xf32, #tpu.memory_space<vmem>>)
      tpu.yield
    }) : () -> ()
    %dma_start3A = arith.constant 0 : i32
    %dma_start3A_16 = arith.constant 0 : i32
    %dma_start3A_17 = tpu.memref_slice %arg4[%dma_start3A, %dma_start3A_16] : memref<5120x1024xf32, #tpu.memory_space<hbm>> -> memref<5120x1024xf32, #tpu.memory_space<hbm>>
    tpu.enqueue_indirect_dma source(%arg9 : memref<32x1024xf32, #tpu.memory_space<vmem>>) target(%dma_start3A_17 : memref<5120x1024xf32, #tpu.memory_space<hbm>>) offsets(%arg5 : memref<32xi32, #tpu.memory_space<vmem>>) semaphore(%arg11 : memref<!tpu.dma_semaphore, #tpu.memory_space<semaphore_mem>>)
    %add3A_18 = arith.constant 32 : i32
    %add3A_19 = arith.addi %mul3A_2, %add3A_18 : i32
    "tpu.region"() ({
      %run_scoped3A = tpu.sem_alloc : memref<!tpu.dma_semaphore, #tpu.memory_space<semaphore_mem>>
      %dma_start3A_50 = tpu.memref_slice %arg2[%add3A_19] : memref<4096xi32, #tpu.memory_space<hbm>> -> memref<32xi32, #tpu.memory_space<hbm>>
      %dma_start3A_51 = tpu.memref_slice %arg2[%add3A_19] : memref<4096xi32, #tpu.memory_space<hbm>> -> memref<32xi32, #tpu.memory_space<hbm>>
      tpu.enqueue_dma source(%dma_start3A_51 : memref<32xi32, #tpu.memory_space<hbm>>) target(%arg6 : memref<32xi32, #tpu.memory_space<vmem>>) target_semaphore(%run_scoped3A : memref<!tpu.dma_semaphore, #tpu.memory_space<semaphore_mem>>)
      %dma_wait3A_52 = tpu.memref_slice %arg2[%add3A_19] : memref<4096xi32, #tpu.memory_space<hbm>> -> memref<32xi32, #tpu.memory_space<hbm>>
      %dma_wait3A_53 = tpu.memref_slice %arg2[%add3A_19] : memref<4096xi32, #tpu.memory_space<hbm>> -> memref<32xi32, #tpu.memory_space<hbm>>
      tpu.wait_dma2 semaphore(%run_scoped3A : memref<!tpu.dma_semaphore, #tpu.memory_space<semaphore_mem>>) src(%dma_wait3A_53 : memref<32xi32, #tpu.memory_space<hbm>>) dst(%arg6 : memref<32xi32, #tpu.memory_space<vmem>>)
      tpu.yield
    }) : () -> ()
    %add3A_20 = arith.constant 32 : i32
    %add3A_21 = arith.addi %select_n3A_11, %add3A_20 : i32
    "tpu.region"() ({
      %run_scoped3A = tpu.sem_alloc : memref<!tpu.dma_semaphore, #tpu.memory_space<semaphore_mem>>
      %dma_start3A_50 = arith.constant 0 : i32
      %dma_start3A_51 = tpu.memref_slice %arg3[%add3A_21, %dma_start3A_50] : memref<2048x1024xf32, #tpu.memory_space<hbm>> -> memref<32x1024xf32, #tpu.memory_space<hbm>>
      %dma_start3A_52 = arith.constant 0 : i32
      %dma_start3A_53 = tpu.memref_slice %arg3[%add3A_21, %dma_start3A_52] : memref<2048x1024xf32, #tpu.memory_space<hbm>> -> memref<32x1024xf32, #tpu.memory_space<hbm>>
      tpu.enqueue_dma source(%dma_start3A_53 : memref<32x1024xf32, #tpu.memory_space<hbm>>) target(%arg10 : memref<32x1024xf32, #tpu.memory_space<vmem>>) target_semaphore(%run_scoped3A : memref<!tpu.dma_semaphore, #tpu.memory_space<semaphore_mem>>)
      %dma_wait3A_54 = arith.constant 0 : i32
      %dma_wait3A_55 = tpu.memref_slice %arg3[%add3A_21, %dma_wait3A_54] : memref<2048x1024xf32, #tpu.memory_space<hbm>> -> memref<32x1024xf32, #tpu.memory_space<hbm>>
      %dma_wait3A_56 = arith.constant 0 : i32
      %dma_wait3A_57 = tpu.memref_slice %arg3[%add3A_21, %dma_wait3A_56] : memref<2048x1024xf32, #tpu.memory_space<hbm>> -> memref<32x1024xf32, #tpu.memory_space<hbm>>
      tpu.wait_dma2 semaphore(%run_scoped3A : memref<!tpu.dma_semaphore, #tpu.memory_space<semaphore_mem>>) src(%dma_wait3A_57 : memref<32x1024xf32, #tpu.memory_space<hbm>>) dst(%arg10 : memref<32x1024xf32, #tpu.memory_space<vmem>>)
      tpu.yield
    }) : () -> ()
    %dma_start3A_22 = arith.constant 0 : i32
    %dma_start3A_23 = arith.constant 0 : i32
    %dma_start3A_24 = tpu.memref_slice %arg4[%dma_start3A_22, %dma_start3A_23] : memref<5120x1024xf32, #tpu.memory_space<hbm>> -> memref<5120x1024xf32, #tpu.memory_space<hbm>>
    tpu.enqueue_indirect_dma source(%arg10 : memref<32x1024xf32, #tpu.memory_space<vmem>>) target(%dma_start3A_24 : memref<5120x1024xf32, #tpu.memory_space<hbm>>) offsets(%arg6 : memref<32xi32, #tpu.memory_space<vmem>>) semaphore(%arg12 : memref<!tpu.dma_semaphore, #tpu.memory_space<semaphore_mem>>)
    %dma_wait3A = arith.constant 0 : i32
    %dma_wait3A_25 = arith.constant 0 : i32
    %dma_wait3A_26 = tpu.memref_slice %arg4[%dma_wait3A, %dma_wait3A_25] : memref<5120x1024xf32, #tpu.memory_space<hbm>> -> memref<5120x1024xf32, #tpu.memory_space<hbm>>
    tpu.wait_indirect_dma semaphore(%arg11 : memref<!tpu.dma_semaphore, #tpu.memory_space<semaphore_mem>>) src(%arg9 : memref<32x1024xf32, #tpu.memory_space<vmem>>) dst(%dma_wait3A_26 : memref<5120x1024xf32, #tpu.memory_space<hbm>>)
    %add3A_27 = arith.constant 64 : i32
    %add3A_28 = arith.addi %mul3A_2, %add3A_27 : i32
    "tpu.region"() ({
      %run_scoped3A = tpu.sem_alloc : memref<!tpu.dma_semaphore, #tpu.memory_space<semaphore_mem>>
      %dma_start3A_50 = tpu.memref_slice %arg2[%add3A_28] : memref<4096xi32, #tpu.memory_space<hbm>> -> memref<32xi32, #tpu.memory_space<hbm>>
      %dma_start3A_51 = tpu.memref_slice %arg2[%add3A_28] : memref<4096xi32, #tpu.memory_space<hbm>> -> memref<32xi32, #tpu.memory_space<hbm>>
      tpu.enqueue_dma source(%dma_start3A_51 : memref<32xi32, #tpu.memory_space<hbm>>) target(%arg7 : memref<32xi32, #tpu.memory_space<vmem>>) target_semaphore(%run_scoped3A : memref<!tpu.dma_semaphore, #tpu.memory_space<semaphore_mem>>)
      %dma_wait3A_52 = tpu.memref_slice %arg2[%add3A_28] : memref<4096xi32, #tpu.memory_space<hbm>> -> memref<32xi32, #tpu.memory_space<hbm>>
      %dma_wait3A_53 = tpu.memref_slice %arg2[%add3A_28] : memref<4096xi32, #tpu.memory_space<hbm>> -> memref<32xi32, #tpu.memory_space<hbm>>
      tpu.wait_dma2 semaphore(%run_scoped3A : memref<!tpu.dma_semaphore, #tpu.memory_space<semaphore_mem>>) src(%dma_wait3A_53 : memref<32xi32, #tpu.memory_space<hbm>>) dst(%arg7 : memref<32xi32, #tpu.memory_space<vmem>>)
      tpu.yield
    }) : () -> ()
    %add3A_29 = arith.constant 64 : i32
    %add3A_30 = arith.addi %select_n3A_11, %add3A_29 : i32
    "tpu.region"() ({
      %run_scoped3A = tpu.sem_alloc : memref<!tpu.dma_semaphore, #tpu.memory_space<semaphore_mem>>
      %dma_start3A_50 = arith.constant 0 : i32
      %dma_start3A_51 = tpu.memref_slice %arg3[%add3A_30, %dma_start3A_50] : memref<2048x1024xf32, #tpu.memory_space<hbm>> -> memref<32x1024xf32, #tpu.memory_space<hbm>>
      %dma_start3A_52 = arith.constant 0 : i32
      %dma_start3A_53 = tpu.memref_slice %arg3[%add3A_30, %dma_start3A_52] : memref<2048x1024xf32, #tpu.memory_space<hbm>> -> memref<32x1024xf32, #tpu.memory_space<hbm>>
      tpu.enqueue_dma source(%dma_start3A_53 : memref<32x1024xf32, #tpu.memory_space<hbm>>) target(%arg9 : memref<32x1024xf32, #tpu.memory_space<vmem>>) target_semaphore(%run_scoped3A : memref<!tpu.dma_semaphore, #tpu.memory_space<semaphore_mem>>)
      %dma_wait3A_54 = arith.constant 0 : i32
      %dma_wait3A_55 = tpu.memref_slice %arg3[%add3A_30, %dma_wait3A_54] : memref<2048x1024xf32, #tpu.memory_space<hbm>> -> memref<32x1024xf32, #tpu.memory_space<hbm>>
      %dma_wait3A_56 = arith.constant 0 : i32
      %dma_wait3A_57 = tpu.memref_slice %arg3[%add3A_30, %dma_wait3A_56] : memref<2048x1024xf32, #tpu.memory_space<hbm>> -> memref<32x1024xf32, #tpu.memory_space<hbm>>
      tpu.wait_dma2 semaphore(%run_scoped3A : memref<!tpu.dma_semaphore, #tpu.memory_space<semaphore_mem>>) src(%dma_wait3A_57 : memref<32x1024xf32, #tpu.memory_space<hbm>>) dst(%arg9 : memref<32x1024xf32, #tpu.memory_space<vmem>>)
      tpu.yield
    }) : () -> ()
    %dma_start3A_31 = arith.constant 0 : i32
    %dma_start3A_32 = arith.constant 0 : i32
    %dma_start3A_33 = tpu.memref_slice %arg4[%dma_start3A_31, %dma_start3A_32] : memref<5120x1024xf32, #tpu.memory_space<hbm>> -> memref<5120x1024xf32, #tpu.memory_space<hbm>>
    tpu.enqueue_indirect_dma source(%arg9 : memref<32x1024xf32, #tpu.memory_space<vmem>>) target(%dma_start3A_33 : memref<5120x1024xf32, #tpu.memory_space<hbm>>) offsets(%arg7 : memref<32xi32, #tpu.memory_space<vmem>>) semaphore(%arg11 : memref<!tpu.dma_semaphore, #tpu.memory_space<semaphore_mem>>)
    %dma_wait3A_34 = arith.constant 0 : i32
    %dma_wait3A_35 = arith.constant 0 : i32
    %dma_wait3A_36 = tpu.memref_slice %arg4[%dma_wait3A_34, %dma_wait3A_35] : memref<5120x1024xf32, #tpu.memory_space<hbm>> -> memref<5120x1024xf32, #tpu.memory_space<hbm>>
    tpu.wait_indirect_dma semaphore(%arg12 : memref<!tpu.dma_semaphore, #tpu.memory_space<semaphore_mem>>) src(%arg10 : memref<32x1024xf32, #tpu.memory_space<vmem>>) dst(%dma_wait3A_36 : memref<5120x1024xf32, #tpu.memory_space<hbm>>)
    %add3A_37 = arith.constant 96 : i32
    %add3A_38 = arith.addi %mul3A_2, %add3A_37 : i32
    "tpu.region"() ({
      %run_scoped3A = tpu.sem_alloc : memref<!tpu.dma_semaphore, #tpu.memory_space<semaphore_mem>>
      %dma_start3A_50 = tpu.memref_slice %arg2[%add3A_38] : memref<4096xi32, #tpu.memory_space<hbm>> -> memref<32xi32, #tpu.memory_space<hbm>>
      %dma_start3A_51 = tpu.memref_slice %arg2[%add3A_38] : memref<4096xi32, #tpu.memory_space<hbm>> -> memref<32xi32, #tpu.memory_space<hbm>>
      tpu.enqueue_dma source(%dma_start3A_51 : memref<32xi32, #tpu.memory_space<hbm>>) target(%arg8 : memref<32xi32, #tpu.memory_space<vmem>>) target_semaphore(%run_scoped3A : memref<!tpu.dma_semaphore, #tpu.memory_space<semaphore_mem>>)
      %dma_wait3A_52 = tpu.memref_slice %arg2[%add3A_38] : memref<4096xi32, #tpu.memory_space<hbm>> -> memref<32xi32, #tpu.memory_space<hbm>>
      %dma_wait3A_53 = tpu.memref_slice %arg2[%add3A_38] : memref<4096xi32, #tpu.memory_space<hbm>> -> memref<32xi32, #tpu.memory_space<hbm>>
      tpu.wait_dma2 semaphore(%run_scoped3A : memref<!tpu.dma_semaphore, #tpu.memory_space<semaphore_mem>>) src(%dma_wait3A_53 : memref<32xi32, #tpu.memory_space<hbm>>) dst(%arg8 : memref<32xi32, #tpu.memory_space<vmem>>)
      tpu.yield
    }) : () -> ()
    %add3A_39 = arith.constant 96 : i32
    %add3A_40 = arith.addi %select_n3A_11, %add3A_39 : i32
    "tpu.region"() ({
      %run_scoped3A = tpu.sem_alloc : memref<!tpu.dma_semaphore, #tpu.memory_space<semaphore_mem>>
      %dma_start3A_50 = arith.constant 0 : i32
      %dma_start3A_51 = tpu.memref_slice %arg3[%add3A_40, %dma_start3A_50] : memref<2048x1024xf32, #tpu.memory_space<hbm>> -> memref<32x1024xf32, #tpu.memory_space<hbm>>
      %dma_start3A_52 = arith.constant 0 : i32
      %dma_start3A_53 = tpu.memref_slice %arg3[%add3A_40, %dma_start3A_52] : memref<2048x1024xf32, #tpu.memory_space<hbm>> -> memref<32x1024xf32, #tpu.memory_space<hbm>>
      tpu.enqueue_dma source(%dma_start3A_53 : memref<32x1024xf32, #tpu.memory_space<hbm>>) target(%arg10 : memref<32x1024xf32, #tpu.memory_space<vmem>>) target_semaphore(%run_scoped3A : memref<!tpu.dma_semaphore, #tpu.memory_space<semaphore_mem>>)
      %dma_wait3A_54 = arith.constant 0 : i32
      %dma_wait3A_55 = tpu.memref_slice %arg3[%add3A_40, %dma_wait3A_54] : memref<2048x1024xf32, #tpu.memory_space<hbm>> -> memref<32x1024xf32, #tpu.memory_space<hbm>>
      %dma_wait3A_56 = arith.constant 0 : i32
      %dma_wait3A_57 = tpu.memref_slice %arg3[%add3A_40, %dma_wait3A_56] : memref<2048x1024xf32, #tpu.memory_space<hbm>> -> memref<32x1024xf32, #tpu.memory_space<hbm>>
      tpu.wait_dma2 semaphore(%run_scoped3A : memref<!tpu.dma_semaphore, #tpu.memory_space<semaphore_mem>>) src(%dma_wait3A_57 : memref<32x1024xf32, #tpu.memory_space<hbm>>) dst(%arg10 : memref<32x1024xf32, #tpu.memory_space<vmem>>)
      tpu.yield
    }) : () -> ()
    %dma_start3A_41 = arith.constant 0 : i32
    %dma_start3A_42 = arith.constant 0 : i32
    %dma_start3A_43 = tpu.memref_slice %arg4[%dma_start3A_41, %dma_start3A_42] : memref<5120x1024xf32, #tpu.memory_space<hbm>> -> memref<5120x1024xf32, #tpu.memory_space<hbm>>
    tpu.enqueue_indirect_dma source(%arg10 : memref<32x1024xf32, #tpu.memory_space<vmem>>) target(%dma_start3A_43 : memref<5120x1024xf32, #tpu.memory_space<hbm>>) offsets(%arg8 : memref<32xi32, #tpu.memory_space<vmem>>) semaphore(%arg12 : memref<!tpu.dma_semaphore, #tpu.memory_space<semaphore_mem>>)
    %dma_wait3A_44 = arith.constant 0 : i32
    %dma_wait3A_45 = arith.constant 0 : i32
    %dma_wait3A_46 = tpu.memref_slice %arg4[%dma_wait3A_44, %dma_wait3A_45] : memref<5120x1024xf32, #tpu.memory_space<hbm>> -> memref<5120x1024xf32, #tpu.memory_space<hbm>>
    tpu.wait_indirect_dma semaphore(%arg11 : memref<!tpu.dma_semaphore, #tpu.memory_space<semaphore_mem>>) src(%arg9 : memref<32x1024xf32, #tpu.memory_space<vmem>>) dst(%dma_wait3A_46 : memref<5120x1024xf32, #tpu.memory_space<hbm>>)
    %dma_wait3A_47 = arith.constant 0 : i32
    %dma_wait3A_48 = arith.constant 0 : i32
    %dma_wait3A_49 = tpu.memref_slice %arg4[%dma_wait3A_47, %dma_wait3A_48] : memref<5120x1024xf32, #tpu.memory_space<hbm>> -> memref<5120x1024xf32, #tpu.memory_space<hbm>>
    tpu.wait_indirect_dma semaphore(%arg12 : memref<!tpu.dma_semaphore, #tpu.memory_space<semaphore_mem>>) src(%arg10 : memref<32x1024xf32, #tpu.memory_space<vmem>>) dst(%dma_wait3A_49 : memref<5120x1024xf32, #tpu.memory_space<hbm>>)
    return
  }
}

module attributes {stable_mosaic.version = 14 : i64} {
  func.func @_prelude_body(%arg0: i32, %arg1: memref<256x1024xf32, #tpu.memory_space<vmem>>, %arg2: memref<1x1024xf32, #tpu.memory_space<vmem>>, %arg3: memref<1024x1024xf32, #tpu.memory_space<vmem>>, %arg4: memref<1024x256xf32, #tpu.memory_space<vmem>>, %arg5: memref<1024x256xf32, #tpu.memory_space<vmem>>, %arg6: memref<1x1024xf32, #tpu.memory_space<vmem>>, %arg7: memref<1x256xf32, #tpu.memory_space<vmem>>, %arg8: memref<256x64xf32, #tpu.memory_space<vmem>>, %arg9: memref<256x64xf32, #tpu.memory_space<vmem>>, %arg10: memref<1024x1024xbf16, #tpu.memory_space<vmem>>, %arg11: memref<256x256xbf16, #tpu.memory_space<vmem>>, %arg12: memref<1024x16xf32, #tpu.memory_space<vmem>>, %arg13: memref<16x1024xf32, #tpu.memory_space<vmem>>, %arg14: memref<256x4xf32, #tpu.memory_space<vmem>>, %arg15: memref<4x256xf32, #tpu.memory_space<vmem>>, %arg16: memref<256x1024xbf16, #tpu.memory_space<vmem>>, %arg17: memref<256x256xbf16, #tpu.memory_space<vmem>>, %arg18: memref<256x256xbf16, #tpu.memory_space<vmem>>) attributes {dimension_semantics = [#tpu.dimension_semantics<arbitrary>], iteration_bounds = array<i64: 8>, scalar_prefetch = 0 : i64, scratch_operands = 0 : i64, tpu.core_type = #tpu.core_type<tc>, window_params = [{transform_indices = @transform_0, window_bounds = array<i64: 256, 1024>}, {pipeline_mode = #tpu.pipeline_mode<synchronous>, transform_indices = @transform_1, window_bounds = array<i64: 1, 1024>}, {pipeline_mode = #tpu.pipeline_mode<synchronous>, transform_indices = @transform_2, window_bounds = array<i64: 1024, 1024>}, {pipeline_mode = #tpu.pipeline_mode<synchronous>, transform_indices = @transform_3, window_bounds = array<i64: 1024, 256>}, {pipeline_mode = #tpu.pipeline_mode<synchronous>, transform_indices = @transform_4, window_bounds = array<i64: 1024, 256>}, {pipeline_mode = #tpu.pipeline_mode<synchronous>, transform_indices = @transform_5, window_bounds = array<i64: 1, 1024>}, {pipeline_mode = #tpu.pipeline_mode<synchronous>, transform_indices = @transform_6, window_bounds = array<i64: 1, 256>}, {transform_indices = @transform_7, window_bounds = array<i64: 256, 64>}, {transform_indices = @transform_8, window_bounds = array<i64: 256, 64>}, {pipeline_mode = #tpu.pipeline_mode<synchronous>, transform_indices = @transform_9, window_bounds = array<i64: 1024, 1024>}, {pipeline_mode = #tpu.pipeline_mode<synchronous>, transform_indices = @transform_10, window_bounds = array<i64: 256, 256>}, {pipeline_mode = #tpu.pipeline_mode<synchronous>, transform_indices = @transform_11, window_bounds = array<i64: 1024, 16>}, {pipeline_mode = #tpu.pipeline_mode<synchronous>, transform_indices = @transform_12, window_bounds = array<i64: 16, 1024>}, {pipeline_mode = #tpu.pipeline_mode<synchronous>, transform_indices = @transform_13, window_bounds = array<i64: 256, 4>}, {pipeline_mode = #tpu.pipeline_mode<synchronous>, transform_indices = @transform_14, window_bounds = array<i64: 4, 256>}, {transform_indices = @transform_15, window_bounds = array<i64: 256, 1024>}, {transform_indices = @transform_16, window_bounds = array<i64: 256, 256>}, {transform_indices = @transform_17, window_bounds = array<i64: 256, 256>}]} {
    %get3A = arith.constant 0 : index
    %get3A_0 = arith.constant 0 : index
    %get3A_1 = vector.load %arg1[%get3A, %get3A_0] : memref<256x1024xf32, #tpu.memory_space<vmem>>, vector<256x1024xf32>
    %mul3A = arith.mulf %get3A_1, %get3A_1 : vector<256x1024xf32>
    %reduce_sum3A = arith.constant dense<0.000000e+00> : vector<256xf32>
    %reduce_sum3A_2 = vector.multi_reduction <add>, %mul3A, %reduce_sum3A [1] : vector<256x1024xf32> to vector<256xf32>
    %broadcast_in_dim3A = vector.shape_cast %reduce_sum3A_2 : vector<256xf32> to vector<256x1xf32>
    %div3A = arith.constant 1.024000e+03 : f32
    %div3A_3 = vector.broadcast %div3A : f32 to vector<256x1xf32>
    %div3A_4 = arith.divf %broadcast_in_dim3A, %div3A_3 : vector<256x1xf32>
    %add3A = arith.constant 9.99999997E-7 : f32
    %add3A_5 = vector.broadcast %add3A : f32 to vector<256x1xf32>
    %add3A_6 = arith.addf %div3A_4, %add3A_5 : vector<256x1xf32>
    %rsqrt3A = math.rsqrt %add3A_6 : vector<256x1xf32>
    %mul3A_7 = vector.broadcast %rsqrt3A : vector<256x1xf32> to vector<256x1024xf32>
    %mul3A_8 = arith.mulf %get3A_1, %mul3A_7 : vector<256x1024xf32>
    %get3A_9 = arith.constant 0 : index
    %get3A_10 = arith.constant 0 : index
    %get3A_11 = vector.load %arg2[%get3A_9, %get3A_10] : memref<1x1024xf32, #tpu.memory_space<vmem>>, vector<1x1024xf32>
    %mul3A_12 = vector.broadcast %get3A_11 : vector<1x1024xf32> to vector<256x1024xf32>
    %mul3A_13 = arith.mulf %mul3A_8, %mul3A_12 : vector<256x1024xf32>
    %convert_element_type3A = arith.truncf %mul3A_13 : vector<256x1024xf32> to vector<256x1024xbf16>
    %get3A_14 = arith.constant 0 : index
    %get3A_15 = arith.constant 0 : index
    %get3A_16 = vector.load %arg8[%get3A_14, %get3A_15] : memref<256x64xf32, #tpu.memory_space<vmem>>, vector<256x64xf32>
    %get3A_17 = arith.constant 0 : index
    %get3A_18 = arith.constant 0 : index
    %get3A_19 = vector.load %arg9[%get3A_17, %get3A_18] : memref<256x64xf32, #tpu.memory_space<vmem>>, vector<256x64xf32>
    %get3A_20 = arith.constant 0 : index
    %get3A_21 = arith.constant 0 : index
    %get3A_22 = vector.load %arg3[%get3A_20, %get3A_21] : memref<1024x1024xf32, #tpu.memory_space<vmem>>, vector<1024x1024xf32>
    %convert_element_type3A_23 = arith.truncf %get3A_22 : vector<1024x1024xf32> to vector<1024x1024xbf16>
    %dot_general3A = arith.constant dense<0.000000e+00> : vector<256x1024xf32>
    %dot_general3A_24 = tpu.matmul %convert_element_type3A, %convert_element_type3A_23, %dot_general3A {dimension_numbers = #tpu.dot_dimension_numbers<[1], [0], [0], [1], [0, 0, 1, 1], [], []>, transpose_lhs_hint = false} : vector<256x1024xbf16>, vector<1024x1024xbf16>, vector<256x1024xf32> -> vector<256x1024xf32>
    %mul3A_25 = arith.mulf %dot_general3A_24, %dot_general3A_24 : vector<256x1024xf32>
    %get3A_26 = arith.constant 0 : index
    %get3A_27 = arith.constant 0 : index
    %get3A_28 = vector.load %arg12[%get3A_26, %get3A_27] : memref<1024x16xf32, #tpu.memory_space<vmem>>, vector<1024x16xf32>
    %dot_general3A_29 = arith.constant dense<0.000000e+00> : vector<256x16xf32>
    %dot_general3A_30 = tpu.matmul %mul3A_25, %get3A_28, %dot_general3A_29 {dimension_numbers = #tpu.dot_dimension_numbers<[1], [0], [0], [1], [0, 0, 1, 1], [], []>, transpose_lhs_hint = false} : vector<256x1024xf32>, vector<1024x16xf32>, vector<256x16xf32> -> vector<256x16xf32>
    %div3A_31 = arith.constant 6.400000e+01 : f32
    %div3A_32 = vector.broadcast %div3A_31 : f32 to vector<256x16xf32>
    %div3A_33 = arith.divf %dot_general3A_30, %div3A_32 : vector<256x16xf32>
    %add3A_34 = arith.constant 9.99999997E-7 : f32
    %add3A_35 = vector.broadcast %add3A_34 : f32 to vector<256x16xf32>
    %add3A_36 = arith.addf %div3A_33, %add3A_35 : vector<256x16xf32>
    %rsqrt3A_37 = math.rsqrt %add3A_36 : vector<256x16xf32>
    %get3A_38 = arith.constant 0 : index
    %get3A_39 = arith.constant 0 : index
    %get3A_40 = vector.load %arg13[%get3A_38, %get3A_39] : memref<16x1024xf32, #tpu.memory_space<vmem>>, vector<16x1024xf32>
    %dot_general3A_41 = arith.constant dense<0.000000e+00> : vector<256x1024xf32>
    %dot_general3A_42 = tpu.matmul %rsqrt3A_37, %get3A_40, %dot_general3A_41 {dimension_numbers = #tpu.dot_dimension_numbers<[1], [0], [0], [1], [0, 0, 1, 1], [], []>, transpose_lhs_hint = false} : vector<256x16xf32>, vector<16x1024xf32>, vector<256x1024xf32> -> vector<256x1024xf32>
    %mul3A_43 = arith.mulf %dot_general3A_24, %dot_general3A_42 : vector<256x1024xf32>
    %get3A_44 = arith.constant 0 : index
    %get3A_45 = arith.constant 0 : index
    %get3A_46 = vector.load %arg6[%get3A_44, %get3A_45] : memref<1x1024xf32, #tpu.memory_space<vmem>>, vector<1x1024xf32>
    %mul3A_47 = vector.broadcast %get3A_46 : vector<1x1024xf32> to vector<256x1024xf32>
    %mul3A_48 = arith.mulf %mul3A_43, %mul3A_47 : vector<256x1024xf32>
    %convert_element_type3A_49 = arith.truncf %mul3A_48 : vector<256x1024xf32> to vector<256x1024xbf16>
    %get3A_50 = arith.constant 0 : index
    %get3A_51 = arith.constant 0 : index
    %get3A_52 = vector.load %arg10[%get3A_50, %get3A_51] : memref<1024x1024xbf16, #tpu.memory_space<vmem>>, vector<1024x1024xbf16>
    %dot_general3A_53 = arith.constant dense<0.000000e+00> : vector<256x1024xf32>
    %dot_general3A_54 = tpu.matmul %convert_element_type3A_49, %get3A_52, %dot_general3A_53 {dimension_numbers = #tpu.dot_dimension_numbers<[1], [0], [0], [1], [0, 0, 1, 1], [], []>, transpose_lhs_hint = false} : vector<256x1024xbf16>, vector<1024x1024xbf16>, vector<256x1024xf32> -> vector<256x1024xf32>
    %concatenate3A = tpu.concatenate %get3A_16, %get3A_16, %get3A_16, %get3A_16, %get3A_16, %get3A_16, %get3A_16, %get3A_16, %get3A_16, %get3A_16, %get3A_16, %get3A_16, %get3A_16, %get3A_16, %get3A_16, %get3A_16 in 1 : vector<256x64xf32>, vector<256x64xf32>, vector<256x64xf32>, vector<256x64xf32>, vector<256x64xf32>, vector<256x64xf32>, vector<256x64xf32>, vector<256x64xf32>, vector<256x64xf32>, vector<256x64xf32>, vector<256x64xf32>, vector<256x64xf32>, vector<256x64xf32>, vector<256x64xf32>, vector<256x64xf32>, vector<256x64xf32> -> vector<256x1024xf32>
    %concatenate3A_55 = tpu.concatenate %get3A_19, %get3A_19, %get3A_19, %get3A_19, %get3A_19, %get3A_19, %get3A_19, %get3A_19, %get3A_19, %get3A_19, %get3A_19, %get3A_19, %get3A_19, %get3A_19, %get3A_19, %get3A_19 in 1 : vector<256x64xf32>, vector<256x64xf32>, vector<256x64xf32>, vector<256x64xf32>, vector<256x64xf32>, vector<256x64xf32>, vector<256x64xf32>, vector<256x64xf32>, vector<256x64xf32>, vector<256x64xf32>, vector<256x64xf32>, vector<256x64xf32>, vector<256x64xf32>, vector<256x64xf32>, vector<256x64xf32>, vector<256x64xf32> -> vector<256x1024xf32>
    %mul3A_56 = arith.mulf %mul3A_48, %concatenate3A : vector<256x1024xf32>
    %mul3A_57 = arith.mulf %dot_general3A_54, %concatenate3A_55 : vector<256x1024xf32>
    %add3A_58 = arith.addf %mul3A_56, %mul3A_57 : vector<256x1024xf32>
    %convert_element_type3A_59 = arith.truncf %add3A_58 : vector<256x1024xf32> to vector<256x1024xbf16>
    %convert_element_type3A_60 = arith.extf %convert_element_type3A_59 : vector<256x1024xbf16> to vector<256x1024xf32>
    %mul3A_61 = arith.constant 1.250000e-01 : f32
    %mul3A_62 = vector.broadcast %mul3A_61 : f32 to vector<256x1024xf32>
    %mul3A_63 = arith.mulf %convert_element_type3A_60, %mul3A_62 : vector<256x1024xf32>
    %convert_element_type3A_64 = arith.truncf %mul3A_63 : vector<256x1024xf32> to vector<256x1024xbf16>
    %swap3A = arith.constant 0 : index
    %swap3A_65 = arith.constant 0 : index
    %swap3A_66 = vector.load %arg16[%swap3A, %swap3A_65] : memref<256x1024xbf16, #tpu.memory_space<vmem>>, vector<256x1024xbf16>
    tpu.vector_store %arg16[%swap3A, %swap3A_65], %convert_element_type3A_64 {strides = array<i32>} : memref<256x1024xbf16, #tpu.memory_space<vmem>>, vector<256x1024xbf16>,
    %get3A_67 = arith.constant 0 : index
    %get3A_68 = arith.constant 0 : index
    %get3A_69 = vector.load %arg4[%get3A_67, %get3A_68] : memref<1024x256xf32, #tpu.memory_space<vmem>>, vector<1024x256xf32>
    %convert_element_type3A_70 = arith.truncf %get3A_69 : vector<1024x256xf32> to vector<1024x256xbf16>
    %dot_general3A_71 = arith.constant dense<0.000000e+00> : vector<256x256xf32>
    %dot_general3A_72 = tpu.matmul %convert_element_type3A, %convert_element_type3A_70, %dot_general3A_71 {dimension_numbers = #tpu.dot_dimension_numbers<[1], [0], [0], [1], [0, 0, 1, 1], [], []>, transpose_lhs_hint = false} : vector<256x1024xbf16>, vector<1024x256xbf16>, vector<256x256xf32> -> vector<256x256xf32>
    %mul3A_73 = arith.mulf %dot_general3A_72, %dot_general3A_72 : vector<256x256xf32>
    %get3A_74 = arith.constant 0 : index
    %get3A_75 = arith.constant 0 : index
    %get3A_76 = vector.load %arg14[%get3A_74, %get3A_75] : memref<256x4xf32, #tpu.memory_space<vmem>>, vector<256x4xf32>
    %dot_general3A_77 = arith.constant dense<0.000000e+00> : vector<256x4xf32>
    %dot_general3A_78 = tpu.matmul %mul3A_73, %get3A_76, %dot_general3A_77 {dimension_numbers = #tpu.dot_dimension_numbers<[1], [0], [0], [1], [0, 0, 1, 1], [], []>, transpose_lhs_hint = false} : vector<256x256xf32>, vector<256x4xf32>, vector<256x4xf32> -> vector<256x4xf32>
    %div3A_79 = arith.constant 6.400000e+01 : f32
    %div3A_80 = vector.broadcast %div3A_79 : f32 to vector<256x4xf32>
    %div3A_81 = arith.divf %dot_general3A_78, %div3A_80 : vector<256x4xf32>
    %add3A_82 = arith.constant 9.99999997E-7 : f32
    %add3A_83 = vector.broadcast %add3A_82 : f32 to vector<256x4xf32>
    %add3A_84 = arith.addf %div3A_81, %add3A_83 : vector<256x4xf32>
    %rsqrt3A_85 = math.rsqrt %add3A_84 : vector<256x4xf32>
    %get3A_86 = arith.constant 0 : index
    %get3A_87 = arith.constant 0 : index
    %get3A_88 = vector.load %arg15[%get3A_86, %get3A_87] : memref<4x256xf32, #tpu.memory_space<vmem>>, vector<4x256xf32>
    %dot_general3A_89 = arith.constant dense<0.000000e+00> : vector<256x256xf32>
    %dot_general3A_90 = tpu.matmul %rsqrt3A_85, %get3A_88, %dot_general3A_89 {dimension_numbers = #tpu.dot_dimension_numbers<[1], [0], [0], [1], [0, 0, 1, 1], [], []>, transpose_lhs_hint = false} : vector<256x4xf32>, vector<4x256xf32>, vector<256x256xf32> -> vector<256x256xf32>
    %mul3A_91 = arith.mulf %dot_general3A_72, %dot_general3A_90 : vector<256x256xf32>
    %get3A_92 = arith.constant 0 : index
    %get3A_93 = arith.constant 0 : index
    %get3A_94 = vector.load %arg7[%get3A_92, %get3A_93] : memref<1x256xf32, #tpu.memory_space<vmem>>, vector<1x256xf32>
    %mul3A_95 = vector.broadcast %get3A_94 : vector<1x256xf32> to vector<256x256xf32>
    %mul3A_96 = arith.mulf %mul3A_91, %mul3A_95 : vector<256x256xf32>
    %convert_element_type3A_97 = arith.truncf %mul3A_96 : vector<256x256xf32> to vector<256x256xbf16>
    %get3A_98 = arith.constant 0 : index
    %get3A_99 = arith.constant 0 : index
    %get3A_100 = vector.load %arg11[%get3A_98, %get3A_99] : memref<256x256xbf16, #tpu.memory_space<vmem>>, vector<256x256xbf16>
    %dot_general3A_101 = arith.constant dense<0.000000e+00> : vector<256x256xf32>
    %dot_general3A_102 = tpu.matmul %convert_element_type3A_97, %get3A_100, %dot_general3A_101 {dimension_numbers = #tpu.dot_dimension_numbers<[1], [0], [0], [1], [0, 0, 1, 1], [], []>, transpose_lhs_hint = false} : vector<256x256xbf16>, vector<256x256xbf16>, vector<256x256xf32> -> vector<256x256xf32>
    %concatenate3A_103 = tpu.concatenate %get3A_16, %get3A_16, %get3A_16, %get3A_16 in 1 : vector<256x64xf32>, vector<256x64xf32>, vector<256x64xf32>, vector<256x64xf32> -> vector<256x256xf32>
    %concatenate3A_104 = tpu.concatenate %get3A_19, %get3A_19, %get3A_19, %get3A_19 in 1 : vector<256x64xf32>, vector<256x64xf32>, vector<256x64xf32>, vector<256x64xf32> -> vector<256x256xf32>
    %mul3A_105 = arith.mulf %mul3A_96, %concatenate3A_103 : vector<256x256xf32>
    %mul3A_106 = arith.mulf %dot_general3A_102, %concatenate3A_104 : vector<256x256xf32>
    %add3A_107 = arith.addf %mul3A_105, %mul3A_106 : vector<256x256xf32>
    %convert_element_type3A_108 = arith.truncf %add3A_107 : vector<256x256xf32> to vector<256x256xbf16>
    %swap3A_109 = arith.constant 0 : index
    %swap3A_110 = arith.constant 0 : index
    %swap3A_111 = vector.load %arg17[%swap3A_109, %swap3A_110] : memref<256x256xbf16, #tpu.memory_space<vmem>>, vector<256x256xbf16>
    tpu.vector_store %arg17[%swap3A_109, %swap3A_110], %convert_element_type3A_108 {strides = array<i32>} : memref<256x256xbf16, #tpu.memory_space<vmem>>, vector<256x256xbf16>,
    %get3A_112 = arith.constant 0 : index
    %get3A_113 = arith.constant 0 : index
    %get3A_114 = vector.load %arg5[%get3A_112, %get3A_113] : memref<1024x256xf32, #tpu.memory_space<vmem>>, vector<1024x256xf32>
    %convert_element_type3A_115 = arith.truncf %get3A_114 : vector<1024x256xf32> to vector<1024x256xbf16>
    %dot_general3A_116 = arith.constant dense<0.000000e+00> : vector<256x256xf32>
    %dot_general3A_117 = tpu.matmul %convert_element_type3A, %convert_element_type3A_115, %dot_general3A_116 {dimension_numbers = #tpu.dot_dimension_numbers<[1], [0], [0], [1], [0, 0, 1, 1], [], []>, transpose_lhs_hint = false} : vector<256x1024xbf16>, vector<1024x256xbf16>, vector<256x256xf32> -> vector<256x256xf32>
    %convert_element_type3A_118 = arith.truncf %dot_general3A_117 : vector<256x256xf32> to vector<256x256xbf16>
    %swap3A_119 = arith.constant 0 : index
    %swap3A_120 = arith.constant 0 : index
    %swap3A_121 = vector.load %arg18[%swap3A_119, %swap3A_120] : memref<256x256xbf16, #tpu.memory_space<vmem>>, vector<256x256xbf16>
    tpu.vector_store %arg18[%swap3A_119, %swap3A_120], %convert_element_type3A_118 {strides = array<i32>} : memref<256x256xbf16, #tpu.memory_space<vmem>>, vector<256x256xbf16>,
    return
  }
  func.func @transform_0(%arg0: i32) -> (i32, i32) {
    %c0_i32 = arith.constant 0 : i32
    %c0_i32_0 = arith.constant 0 : i32
    return %arg0, %c0_i32 : i32, i32
  }
  func.func @transform_1(%arg0: i32) -> (i32, i32) {
    %c0_i32 = arith.constant 0 : i32
    %c0_i32_0 = arith.constant 0 : i32
    %c0_i32_1 = arith.constant 0 : i32
    return %c0_i32, %c0_i32_0 : i32, i32
  }
  func.func @transform_2(%arg0: i32) -> (i32, i32) {
    %c0_i32 = arith.constant 0 : i32
    %c0_i32_0 = arith.constant 0 : i32
    %c0_i32_1 = arith.constant 0 : i32
    return %c0_i32, %c0_i32_0 : i32, i32
  }
  func.func @transform_3(%arg0: i32) -> (i32, i32) {
    %c0_i32 = arith.constant 0 : i32
    %c0_i32_0 = arith.constant 0 : i32
    %c0_i32_1 = arith.constant 0 : i32
    return %c0_i32, %c0_i32_0 : i32, i32
  }
  func.func @transform_4(%arg0: i32) -> (i32, i32) {
    %c0_i32 = arith.constant 0 : i32
    %c0_i32_0 = arith.constant 0 : i32
    %c0_i32_1 = arith.constant 0 : i32
    return %c0_i32, %c0_i32_0 : i32, i32
  }
  func.func @transform_5(%arg0: i32) -> (i32, i32) {
    %c0_i32 = arith.constant 0 : i32
    %c0_i32_0 = arith.constant 0 : i32
    %c0_i32_1 = arith.constant 0 : i32
    return %c0_i32, %c0_i32_0 : i32, i32
  }
  func.func @transform_6(%arg0: i32) -> (i32, i32) {
    %c0_i32 = arith.constant 0 : i32
    %c0_i32_0 = arith.constant 0 : i32
    %c0_i32_1 = arith.constant 0 : i32
    return %c0_i32, %c0_i32_0 : i32, i32
  }
  func.func @transform_7(%arg0: i32) -> (i32, i32) {
    %c0_i32 = arith.constant 0 : i32
    %c0_i32_0 = arith.constant 0 : i32
    return %arg0, %c0_i32 : i32, i32
  }
  func.func @transform_8(%arg0: i32) -> (i32, i32) {
    %c0_i32 = arith.constant 0 : i32
    %c0_i32_0 = arith.constant 0 : i32
    return %arg0, %c0_i32 : i32, i32
  }
  func.func @transform_9(%arg0: i32) -> (i32, i32) {
    %c0_i32 = arith.constant 0 : i32
    %c0_i32_0 = arith.constant 0 : i32
    %c0_i32_1 = arith.constant 0 : i32
    return %c0_i32, %c0_i32_0 : i32, i32
  }
  func.func @transform_10(%arg0: i32) -> (i32, i32) {
    %c0_i32 = arith.constant 0 : i32
    %c0_i32_0 = arith.constant 0 : i32
    %c0_i32_1 = arith.constant 0 : i32
    return %c0_i32, %c0_i32_0 : i32, i32
  }
  func.func @transform_11(%arg0: i32) -> (i32, i32) {
    %c0_i32 = arith.constant 0 : i32
    %c0_i32_0 = arith.constant 0 : i32
    %c0_i32_1 = arith.constant 0 : i32
    return %c0_i32, %c0_i32_0 : i32, i32
  }
  func.func @transform_12(%arg0: i32) -> (i32, i32) {
    %c0_i32 = arith.constant 0 : i32
    %c0_i32_0 = arith.constant 0 : i32
    %c0_i32_1 = arith.constant 0 : i32
    return %c0_i32, %c0_i32_0 : i32, i32
  }
  func.func @transform_13(%arg0: i32) -> (i32, i32) {
    %c0_i32 = arith.constant 0 : i32
    %c0_i32_0 = arith.constant 0 : i32
    %c0_i32_1 = arith.constant 0 : i32
    return %c0_i32, %c0_i32_0 : i32, i32
  }
  func.func @transform_14(%arg0: i32) -> (i32, i32) {
    %c0_i32 = arith.constant 0 : i32
    %c0_i32_0 = arith.constant 0 : i32
    %c0_i32_1 = arith.constant 0 : i32
    return %c0_i32, %c0_i32_0 : i32, i32
  }
  func.func @transform_15(%arg0: i32) -> (i32, i32) {
    %c0_i32 = arith.constant 0 : i32
    %c0_i32_0 = arith.constant 0 : i32
    return %arg0, %c0_i32 : i32, i32
  }
  func.func @transform_16(%arg0: i32) -> (i32, i32) {
    %c0_i32 = arith.constant 0 : i32
    %c0_i32_0 = arith.constant 0 : i32
    return %arg0, %c0_i32 : i32, i32
  }
  func.func @transform_17(%arg0: i32) -> (i32, i32) {
    %c0_i32 = arith.constant 0 : i32
    %c0_i32_0 = arith.constant 0 : i32
    return %arg0, %c0_i32 : i32, i32
  }
}

module attributes {stable_mosaic.version = 14 : i64} {
  func.func @_attnpost_body(%arg0: i32, %arg1: memref<256x1024xbf16, #tpu.memory_space<vmem>>, %arg2: memref<2048x256xbf16, #tpu.memory_space<vmem>>, %arg3: memref<2048x256xbf16, #tpu.memory_space<vmem>>, %arg4: memref<1024x1024xf32, #tpu.memory_space<vmem>>, %arg5: memref<256x1024xf32, #tpu.memory_space<vmem>>, %arg6: memref<1x1024xf32, #tpu.memory_space<vmem>>, %arg7: memref<1024x8xf32, #tpu.memory_space<vmem>>, %arg8: memref<256x1024xf32, #tpu.memory_space<vmem>>, %arg9: memref<256x1024xf32, #tpu.memory_space<vmem>>, %arg10: memref<256xf32, #tpu.memory_space<vmem>>, %arg11: memref<256xf32, #tpu.memory_space<vmem>>, %arg12: memref<2048xi32, #tpu.memory_space<vmem>>, %arg13: memref<2048xi32, #tpu.memory_space<vmem>>, %arg14: memref<40xi32, #tpu.memory_space<vmem>>, %arg15: memref<2048x8xf32, #tpu.memory_space<vmem>>, %arg16: memref<2048x8xf32, #tpu.memory_space<vmem>>) attributes {dimension_semantics = [#tpu.dimension_semantics<arbitrary>], iteration_bounds = array<i64: 8>, scalar_prefetch = 0 : i64, scratch_operands = 2 : i64, tpu.core_type = #tpu.core_type<tc>, window_params = [{transform_indices = @transform_0, window_bounds = array<i64: 256, 1024>}, {pipeline_mode = #tpu.pipeline_mode<synchronous>, transform_indices = @transform_1, window_bounds = array<i64: 2048, 256>}, {pipeline_mode = #tpu.pipeline_mode<synchronous>, transform_indices = @transform_2, window_bounds = array<i64: 2048, 256>}, {pipeline_mode = #tpu.pipeline_mode<synchronous>, transform_indices = @transform_3, window_bounds = array<i64: 1024, 1024>}, {transform_indices = @transform_4, window_bounds = array<i64: 256, 1024>}, {pipeline_mode = #tpu.pipeline_mode<synchronous>, transform_indices = @transform_5, window_bounds = array<i64: 1, 1024>}, {pipeline_mode = #tpu.pipeline_mode<synchronous>, transform_indices = @transform_6, window_bounds = array<i64: 1024, 8>}, {transform_indices = @transform_7, window_bounds = array<i64: 256, 1024>}, {transform_indices = @transform_8, window_bounds = array<i64: 256, 1024>}, {transform_indices = @transform_9, window_bounds = array<i64: 256>}, {transform_indices = @transform_10, window_bounds = array<i64: 256>}, {pipeline_mode = #tpu.pipeline_mode<synchronous>, transform_indices = @transform_11, window_bounds = array<i64: 2048>}, {pipeline_mode = #tpu.pipeline_mode<synchronous>, transform_indices = @transform_12, window_bounds = array<i64: 2048>}, {pipeline_mode = #tpu.pipeline_mode<synchronous>, transform_indices = @transform_13, window_bounds = array<i64: 40>}]} {
    %get3A = arith.constant 0 : index
    %get3A_0 = arith.constant 0 : index
    %get3A_1 = vector.load %arg1[%get3A, %get3A_0] : memref<256x1024xbf16, #tpu.memory_space<vmem>>, vector<256x1024xbf16>
    %get3A_2 = arith.constant 0 : index
    %get3A_3 = arith.constant 0 : index
    %get3A_4 = vector.load %arg2[%get3A_2, %get3A_3] : memref<2048x256xbf16, #tpu.memory_space<vmem>>, vector<2048x256xbf16>
    %get3A_5 = arith.constant 0 : index
    %get3A_6 = arith.constant 0 : index
    %get3A_7 = vector.load %arg3[%get3A_5, %get3A_6] : memref<2048x256xbf16, #tpu.memory_space<vmem>>, vector<2048x256xbf16>
    %slice3A = vector.extract_strided_slice %get3A_1 {offsets = [0, 0], sizes = [256, 64], strides = [1, 1]} : vector<256x1024xbf16> to vector<256x64xbf16>
    %slice3A_8 = vector.extract_strided_slice %get3A_4 {offsets = [0, 0], sizes = [2048, 64], strides = [1, 1]} : vector<2048x256xbf16> to vector<2048x64xbf16>
    %slice3A_9 = vector.extract_strided_slice %get3A_7 {offsets = [0, 0], sizes = [2048, 64], strides = [1, 1]} : vector<2048x256xbf16> to vector<2048x64xbf16>
    %dot_general3A = arith.constant dense<0.000000e+00> : vector<256x2048xf32>
    %dot_general3A_10 = tpu.matmul %slice3A, %slice3A_8, %dot_general3A {dimension_numbers = #tpu.dot_dimension_numbers<[1], [1], [0], [0], [0, 0, 1, 0], [], []>, transpose_lhs_hint = false} : vector<256x64xbf16>, vector<2048x64xbf16>, vector<256x2048xf32> -> vector<256x2048xf32>
    %exp3A = math.exp %dot_general3A_10 : vector<256x2048xf32>
    %reduce_sum3A = arith.constant dense<0.000000e+00> : vector<256xf32>
    %reduce_sum3A_11 = vector.multi_reduction <add>, %exp3A, %reduce_sum3A [1] : vector<256x2048xf32> to vector<256xf32>
    %broadcast_in_dim3A = vector.shape_cast %reduce_sum3A_11 : vector<256xf32> to vector<256x1xf32>
    %div3A = arith.constant 1.000000e+00 : f32
    %div3A_12 = vector.broadcast %div3A : f32 to vector<256x1xf32>
    %div3A_13 = arith.divf %div3A_12, %broadcast_in_dim3A : vector<256x1xf32>
    %convert_element_type3A = arith.truncf %exp3A : vector<256x2048xf32> to vector<256x2048xbf16>
    %dot_general3A_14 = arith.constant dense<0.000000e+00> : vector<256x64xf32>
    %dot_general3A_15 = tpu.matmul %convert_element_type3A, %slice3A_9, %dot_general3A_14 {dimension_numbers = #tpu.dot_dimension_numbers<[1], [0], [0], [1], [0, 0, 1, 1], [], []>, transpose_lhs_hint = false} : vector<256x2048xbf16>, vector<2048x64xbf16>, vector<256x64xf32> -> vector<256x64xf32>
    %mul3A = vector.broadcast %div3A_13 : vector<256x1xf32> to vector<256x64xf32>
    %mul3A_16 = arith.mulf %dot_general3A_15, %mul3A : vector<256x64xf32>
    %convert_element_type3A_17 = arith.truncf %mul3A_16 : vector<256x64xf32> to vector<256x64xbf16>
    %slice3A_18 = vector.extract_strided_slice %get3A_1 {offsets = [0, 64], sizes = [256, 64], strides = [1, 1]} : vector<256x1024xbf16> to vector<256x64xbf16>
    %slice3A_19 = vector.extract_strided_slice %get3A_4 {offsets = [0, 0], sizes = [2048, 64], strides = [1, 1]} : vector<2048x256xbf16> to vector<2048x64xbf16>
    %slice3A_20 = vector.extract_strided_slice %get3A_7 {offsets = [0, 0], sizes = [2048, 64], strides = [1, 1]} : vector<2048x256xbf16> to vector<2048x64xbf16>
    %dot_general3A_21 = arith.constant dense<0.000000e+00> : vector<256x2048xf32>
    %dot_general3A_22 = tpu.matmul %slice3A_18, %slice3A_19, %dot_general3A_21 {dimension_numbers = #tpu.dot_dimension_numbers<[1], [1], [0], [0], [0, 0, 1, 0], [], []>, transpose_lhs_hint = false} : vector<256x64xbf16>, vector<2048x64xbf16>, vector<256x2048xf32> -> vector<256x2048xf32>
    %exp3A_23 = math.exp %dot_general3A_22 : vector<256x2048xf32>
    %reduce_sum3A_24 = arith.constant dense<0.000000e+00> : vector<256xf32>
    %reduce_sum3A_25 = vector.multi_reduction <add>, %exp3A_23, %reduce_sum3A_24 [1] : vector<256x2048xf32> to vector<256xf32>
    %broadcast_in_dim3A_26 = vector.shape_cast %reduce_sum3A_25 : vector<256xf32> to vector<256x1xf32>
    %div3A_27 = arith.constant 1.000000e+00 : f32
    %div3A_28 = vector.broadcast %div3A_27 : f32 to vector<256x1xf32>
    %div3A_29 = arith.divf %div3A_28, %broadcast_in_dim3A_26 : vector<256x1xf32>
    %convert_element_type3A_30 = arith.truncf %exp3A_23 : vector<256x2048xf32> to vector<256x2048xbf16>
    %dot_general3A_31 = arith.constant dense<0.000000e+00> : vector<256x64xf32>
    %dot_general3A_32 = tpu.matmul %convert_element_type3A_30, %slice3A_20, %dot_general3A_31 {dimension_numbers = #tpu.dot_dimension_numbers<[1], [0], [0], [1], [0, 0, 1, 1], [], []>, transpose_lhs_hint = false} : vector<256x2048xbf16>, vector<2048x64xbf16>, vector<256x64xf32> -> vector<256x64xf32>
    %mul3A_33 = vector.broadcast %div3A_29 : vector<256x1xf32> to vector<256x64xf32>
    %mul3A_34 = arith.mulf %dot_general3A_32, %mul3A_33 : vector<256x64xf32>
    %convert_element_type3A_35 = arith.truncf %mul3A_34 : vector<256x64xf32> to vector<256x64xbf16>
    %slice3A_36 = vector.extract_strided_slice %get3A_1 {offsets = [0, 128], sizes = [256, 64], strides = [1, 1]} : vector<256x1024xbf16> to vector<256x64xbf16>
    %slice3A_37 = vector.extract_strided_slice %get3A_4 {offsets = [0, 0], sizes = [2048, 64], strides = [1, 1]} : vector<2048x256xbf16> to vector<2048x64xbf16>
    %slice3A_38 = vector.extract_strided_slice %get3A_7 {offsets = [0, 0], sizes = [2048, 64], strides = [1, 1]} : vector<2048x256xbf16> to vector<2048x64xbf16>
    %dot_general3A_39 = arith.constant dense<0.000000e+00> : vector<256x2048xf32>
    %dot_general3A_40 = tpu.matmul %slice3A_36, %slice3A_37, %dot_general3A_39 {dimension_numbers = #tpu.dot_dimension_numbers<[1], [1], [0], [0], [0, 0, 1, 0], [], []>, transpose_lhs_hint = false} : vector<256x64xbf16>, vector<2048x64xbf16>, vector<256x2048xf32> -> vector<256x2048xf32>
    %exp3A_41 = math.exp %dot_general3A_40 : vector<256x2048xf32>
    %reduce_sum3A_42 = arith.constant dense<0.000000e+00> : vector<256xf32>
    %reduce_sum3A_43 = vector.multi_reduction <add>, %exp3A_41, %reduce_sum3A_42 [1] : vector<256x2048xf32> to vector<256xf32>
    %broadcast_in_dim3A_44 = vector.shape_cast %reduce_sum3A_43 : vector<256xf32> to vector<256x1xf32>
    %div3A_45 = arith.constant 1.000000e+00 : f32
    %div3A_46 = vector.broadcast %div3A_45 : f32 to vector<256x1xf32>
    %div3A_47 = arith.divf %div3A_46, %broadcast_in_dim3A_44 : vector<256x1xf32>
    %convert_element_type3A_48 = arith.truncf %exp3A_41 : vector<256x2048xf32> to vector<256x2048xbf16>
    %dot_general3A_49 = arith.constant dense<0.000000e+00> : vector<256x64xf32>
    %dot_general3A_50 = tpu.matmul %convert_element_type3A_48, %slice3A_38, %dot_general3A_49 {dimension_numbers = #tpu.dot_dimension_numbers<[1], [0], [0], [1], [0, 0, 1, 1], [], []>, transpose_lhs_hint = false} : vector<256x2048xbf16>, vector<2048x64xbf16>, vector<256x64xf32> -> vector<256x64xf32>
    %mul3A_51 = vector.broadcast %div3A_47 : vector<256x1xf32> to vector<256x64xf32>
    %mul3A_52 = arith.mulf %dot_general3A_50, %mul3A_51 : vector<256x64xf32>
    %convert_element_type3A_53 = arith.truncf %mul3A_52 : vector<256x64xf32> to vector<256x64xbf16>
    %slice3A_54 = vector.extract_strided_slice %get3A_1 {offsets = [0, 192], sizes = [256, 64], strides = [1, 1]} : vector<256x1024xbf16> to vector<256x64xbf16>
    %slice3A_55 = vector.extract_strided_slice %get3A_4 {offsets = [0, 0], sizes = [2048, 64], strides = [1, 1]} : vector<2048x256xbf16> to vector<2048x64xbf16>
    %slice3A_56 = vector.extract_strided_slice %get3A_7 {offsets = [0, 0], sizes = [2048, 64], strides = [1, 1]} : vector<2048x256xbf16> to vector<2048x64xbf16>
    %dot_general3A_57 = arith.constant dense<0.000000e+00> : vector<256x2048xf32>
    %dot_general3A_58 = tpu.matmul %slice3A_54, %slice3A_55, %dot_general3A_57 {dimension_numbers = #tpu.dot_dimension_numbers<[1], [1], [0], [0], [0, 0, 1, 0], [], []>, transpose_lhs_hint = false} : vector<256x64xbf16>, vector<2048x64xbf16>, vector<256x2048xf32> -> vector<256x2048xf32>
    %exp3A_59 = math.exp %dot_general3A_58 : vector<256x2048xf32>
    %reduce_sum3A_60 = arith.constant dense<0.000000e+00> : vector<256xf32>
    %reduce_sum3A_61 = vector.multi_reduction <add>, %exp3A_59, %reduce_sum3A_60 [1] : vector<256x2048xf32> to vector<256xf32>
    %broadcast_in_dim3A_62 = vector.shape_cast %reduce_sum3A_61 : vector<256xf32> to vector<256x1xf32>
    %div3A_63 = arith.constant 1.000000e+00 : f32
    %div3A_64 = vector.broadcast %div3A_63 : f32 to vector<256x1xf32>
    %div3A_65 = arith.divf %div3A_64, %broadcast_in_dim3A_62 : vector<256x1xf32>
    %convert_element_type3A_66 = arith.truncf %exp3A_59 : vector<256x2048xf32> to vector<256x2048xbf16>
    %dot_general3A_67 = arith.constant dense<0.000000e+00> : vector<256x64xf32>
    %dot_general3A_68 = tpu.matmul %convert_element_type3A_66, %slice3A_56, %dot_general3A_67 {dimension_numbers = #tpu.dot_dimension_numbers<[1], [0], [0], [1], [0, 0, 1, 1], [], []>, transpose_lhs_hint = false} : vector<256x2048xbf16>, vector<2048x64xbf16>, vector<256x64xf32> -> vector<256x64xf32>
    %mul3A_69 = vector.broadcast %div3A_65 : vector<256x1xf32> to vector<256x64xf32>
    %mul3A_70 = arith.mulf %dot_general3A_68, %mul3A_69 : vector<256x64xf32>
    %convert_element_type3A_71 = arith.truncf %mul3A_70 : vector<256x64xf32> to vector<256x64xbf16>
    %slice3A_72 = vector.extract_strided_slice %get3A_1 {offsets = [0, 256], sizes = [256, 64], strides = [1, 1]} : vector<256x1024xbf16> to vector<256x64xbf16>
    %slice3A_73 = vector.extract_strided_slice %get3A_4 {offsets = [0, 64], sizes = [2048, 64], strides = [1, 1]} : vector<2048x256xbf16> to vector<2048x64xbf16>
    %slice3A_74 = vector.extract_strided_slice %get3A_7 {offsets = [0, 64], sizes = [2048, 64], strides = [1, 1]} : vector<2048x256xbf16> to vector<2048x64xbf16>
    %dot_general3A_75 = arith.constant dense<0.000000e+00> : vector<256x2048xf32>
    %dot_general3A_76 = tpu.matmul %slice3A_72, %slice3A_73, %dot_general3A_75 {dimension_numbers = #tpu.dot_dimension_numbers<[1], [1], [0], [0], [0, 0, 1, 0], [], []>, transpose_lhs_hint = false} : vector<256x64xbf16>, vector<2048x64xbf16>, vector<256x2048xf32> -> vector<256x2048xf32>
    %exp3A_77 = math.exp %dot_general3A_76 : vector<256x2048xf32>
    %reduce_sum3A_78 = arith.constant dense<0.000000e+00> : vector<256xf32>
    %reduce_sum3A_79 = vector.multi_reduction <add>, %exp3A_77, %reduce_sum3A_78 [1] : vector<256x2048xf32> to vector<256xf32>
    %broadcast_in_dim3A_80 = vector.shape_cast %reduce_sum3A_79 : vector<256xf32> to vector<256x1xf32>
    %div3A_81 = arith.constant 1.000000e+00 : f32
    %div3A_82 = vector.broadcast %div3A_81 : f32 to vector<256x1xf32>
    %div3A_83 = arith.divf %div3A_82, %broadcast_in_dim3A_80 : vector<256x1xf32>
    %convert_element_type3A_84 = arith.truncf %exp3A_77 : vector<256x2048xf32> to vector<256x2048xbf16>
    %dot_general3A_85 = arith.constant dense<0.000000e+00> : vector<256x64xf32>
    %dot_general3A_86 = tpu.matmul %convert_element_type3A_84, %slice3A_74, %dot_general3A_85 {dimension_numbers = #tpu.dot_dimension_numbers<[1], [0], [0], [1], [0, 0, 1, 1], [], []>, transpose_lhs_hint = false} : vector<256x2048xbf16>, vector<2048x64xbf16>, vector<256x64xf32> -> vector<256x64xf32>
    %mul3A_87 = vector.broadcast %div3A_83 : vector<256x1xf32> to vector<256x64xf32>
    %mul3A_88 = arith.mulf %dot_general3A_86, %mul3A_87 : vector<256x64xf32>
    %convert_element_type3A_89 = arith.truncf %mul3A_88 : vector<256x64xf32> to vector<256x64xbf16>
    %slice3A_90 = vector.extract_strided_slice %get3A_1 {offsets = [0, 320], sizes = [256, 64], strides = [1, 1]} : vector<256x1024xbf16> to vector<256x64xbf16>
    %slice3A_91 = vector.extract_strided_slice %get3A_4 {offsets = [0, 64], sizes = [2048, 64], strides = [1, 1]} : vector<2048x256xbf16> to vector<2048x64xbf16>
    %slice3A_92 = vector.extract_strided_slice %get3A_7 {offsets = [0, 64], sizes = [2048, 64], strides = [1, 1]} : vector<2048x256xbf16> to vector<2048x64xbf16>
    %dot_general3A_93 = arith.constant dense<0.000000e+00> : vector<256x2048xf32>
    %dot_general3A_94 = tpu.matmul %slice3A_90, %slice3A_91, %dot_general3A_93 {dimension_numbers = #tpu.dot_dimension_numbers<[1], [1], [0], [0], [0, 0, 1, 0], [], []>, transpose_lhs_hint = false} : vector<256x64xbf16>, vector<2048x64xbf16>, vector<256x2048xf32> -> vector<256x2048xf32>
    %exp3A_95 = math.exp %dot_general3A_94 : vector<256x2048xf32>
    %reduce_sum3A_96 = arith.constant dense<0.000000e+00> : vector<256xf32>
    %reduce_sum3A_97 = vector.multi_reduction <add>, %exp3A_95, %reduce_sum3A_96 [1] : vector<256x2048xf32> to vector<256xf32>
    %broadcast_in_dim3A_98 = vector.shape_cast %reduce_sum3A_97 : vector<256xf32> to vector<256x1xf32>
    %div3A_99 = arith.constant 1.000000e+00 : f32
    %div3A_100 = vector.broadcast %div3A_99 : f32 to vector<256x1xf32>
    %div3A_101 = arith.divf %div3A_100, %broadcast_in_dim3A_98 : vector<256x1xf32>
    %convert_element_type3A_102 = arith.truncf %exp3A_95 : vector<256x2048xf32> to vector<256x2048xbf16>
    %dot_general3A_103 = arith.constant dense<0.000000e+00> : vector<256x64xf32>
    %dot_general3A_104 = tpu.matmul %convert_element_type3A_102, %slice3A_92, %dot_general3A_103 {dimension_numbers = #tpu.dot_dimension_numbers<[1], [0], [0], [1], [0, 0, 1, 1], [], []>, transpose_lhs_hint = false} : vector<256x2048xbf16>, vector<2048x64xbf16>, vector<256x64xf32> -> vector<256x64xf32>
    %mul3A_105 = vector.broadcast %div3A_101 : vector<256x1xf32> to vector<256x64xf32>
    %mul3A_106 = arith.mulf %dot_general3A_104, %mul3A_105 : vector<256x64xf32>
    %convert_element_type3A_107 = arith.truncf %mul3A_106 : vector<256x64xf32> to vector<256x64xbf16>
    %slice3A_108 = vector.extract_strided_slice %get3A_1 {offsets = [0, 384], sizes = [256, 64], strides = [1, 1]} : vector<256x1024xbf16> to vector<256x64xbf16>
    %slice3A_109 = vector.extract_strided_slice %get3A_4 {offsets = [0, 64], sizes = [2048, 64], strides = [1, 1]} : vector<2048x256xbf16> to vector<2048x64xbf16>
    %slice3A_110 = vector.extract_strided_slice %get3A_7 {offsets = [0, 64], sizes = [2048, 64], strides = [1, 1]} : vector<2048x256xbf16> to vector<2048x64xbf16>
    %dot_general3A_111 = arith.constant dense<0.000000e+00> : vector<256x2048xf32>
    %dot_general3A_112 = tpu.matmul %slice3A_108, %slice3A_109, %dot_general3A_111 {dimension_numbers = #tpu.dot_dimension_numbers<[1], [1], [0], [0], [0, 0, 1, 0], [], []>, transpose_lhs_hint = false} : vector<256x64xbf16>, vector<2048x64xbf16>, vector<256x2048xf32> -> vector<256x2048xf32>
    %exp3A_113 = math.exp %dot_general3A_112 : vector<256x2048xf32>
    %reduce_sum3A_114 = arith.constant dense<0.000000e+00> : vector<256xf32>
    %reduce_sum3A_115 = vector.multi_reduction <add>, %exp3A_113, %reduce_sum3A_114 [1] : vector<256x2048xf32> to vector<256xf32>
    %broadcast_in_dim3A_116 = vector.shape_cast %reduce_sum3A_115 : vector<256xf32> to vector<256x1xf32>
    %div3A_117 = arith.constant 1.000000e+00 : f32
    %div3A_118 = vector.broadcast %div3A_117 : f32 to vector<256x1xf32>
    %div3A_119 = arith.divf %div3A_118, %broadcast_in_dim3A_116 : vector<256x1xf32>
    %convert_element_type3A_120 = arith.truncf %exp3A_113 : vector<256x2048xf32> to vector<256x2048xbf16>
    %dot_general3A_121 = arith.constant dense<0.000000e+00> : vector<256x64xf32>
    %dot_general3A_122 = tpu.matmul %convert_element_type3A_120, %slice3A_110, %dot_general3A_121 {dimension_numbers = #tpu.dot_dimension_numbers<[1], [0], [0], [1], [0, 0, 1, 1], [], []>, transpose_lhs_hint = false} : vector<256x2048xbf16>, vector<2048x64xbf16>, vector<256x64xf32> -> vector<256x64xf32>
    %mul3A_123 = vector.broadcast %div3A_119 : vector<256x1xf32> to vector<256x64xf32>
    %mul3A_124 = arith.mulf %dot_general3A_122, %mul3A_123 : vector<256x64xf32>
    %convert_element_type3A_125 = arith.truncf %mul3A_124 : vector<256x64xf32> to vector<256x64xbf16>
    %slice3A_126 = vector.extract_strided_slice %get3A_1 {offsets = [0, 448], sizes = [256, 64], strides = [1, 1]} : vector<256x1024xbf16> to vector<256x64xbf16>
    %slice3A_127 = vector.extract_strided_slice %get3A_4 {offsets = [0, 64], sizes = [2048, 64], strides = [1, 1]} : vector<2048x256xbf16> to vector<2048x64xbf16>
    %slice3A_128 = vector.extract_strided_slice %get3A_7 {offsets = [0, 64], sizes = [2048, 64], strides = [1, 1]} : vector<2048x256xbf16> to vector<2048x64xbf16>
    %dot_general3A_129 = arith.constant dense<0.000000e+00> : vector<256x2048xf32>
    %dot_general3A_130 = tpu.matmul %slice3A_126, %slice3A_127, %dot_general3A_129 {dimension_numbers = #tpu.dot_dimension_numbers<[1], [1], [0], [0], [0, 0, 1, 0], [], []>, transpose_lhs_hint = false} : vector<256x64xbf16>, vector<2048x64xbf16>, vector<256x2048xf32> -> vector<256x2048xf32>
    %exp3A_131 = math.exp %dot_general3A_130 : vector<256x2048xf32>
    %reduce_sum3A_132 = arith.constant dense<0.000000e+00> : vector<256xf32>
    %reduce_sum3A_133 = vector.multi_reduction <add>, %exp3A_131, %reduce_sum3A_132 [1] : vector<256x2048xf32> to vector<256xf32>
    %broadcast_in_dim3A_134 = vector.shape_cast %reduce_sum3A_133 : vector<256xf32> to vector<256x1xf32>
    %div3A_135 = arith.constant 1.000000e+00 : f32
    %div3A_136 = vector.broadcast %div3A_135 : f32 to vector<256x1xf32>
    %div3A_137 = arith.divf %div3A_136, %broadcast_in_dim3A_134 : vector<256x1xf32>
    %convert_element_type3A_138 = arith.truncf %exp3A_131 : vector<256x2048xf32> to vector<256x2048xbf16>
    %dot_general3A_139 = arith.constant dense<0.000000e+00> : vector<256x64xf32>
    %dot_general3A_140 = tpu.matmul %convert_element_type3A_138, %slice3A_128, %dot_general3A_139 {dimension_numbers = #tpu.dot_dimension_numbers<[1], [0], [0], [1], [0, 0, 1, 1], [], []>, transpose_lhs_hint = false} : vector<256x2048xbf16>, vector<2048x64xbf16>, vector<256x64xf32> -> vector<256x64xf32>
    %mul3A_141 = vector.broadcast %div3A_137 : vector<256x1xf32> to vector<256x64xf32>
    %mul3A_142 = arith.mulf %dot_general3A_140, %mul3A_141 : vector<256x64xf32>
    %convert_element_type3A_143 = arith.truncf %mul3A_142 : vector<256x64xf32> to vector<256x64xbf16>
    %slice3A_144 = vector.extract_strided_slice %get3A_1 {offsets = [0, 512], sizes = [256, 64], strides = [1, 1]} : vector<256x1024xbf16> to vector<256x64xbf16>
    %slice3A_145 = vector.extract_strided_slice %get3A_4 {offsets = [0, 128], sizes = [2048, 64], strides = [1, 1]} : vector<2048x256xbf16> to vector<2048x64xbf16>
    %slice3A_146 = vector.extract_strided_slice %get3A_7 {offsets = [0, 128], sizes = [2048, 64], strides = [1, 1]} : vector<2048x256xbf16> to vector<2048x64xbf16>
    %dot_general3A_147 = arith.constant dense<0.000000e+00> : vector<256x2048xf32>
    %dot_general3A_148 = tpu.matmul %slice3A_144, %slice3A_145, %dot_general3A_147 {dimension_numbers = #tpu.dot_dimension_numbers<[1], [1], [0], [0], [0, 0, 1, 0], [], []>, transpose_lhs_hint = false} : vector<256x64xbf16>, vector<2048x64xbf16>, vector<256x2048xf32> -> vector<256x2048xf32>
    %exp3A_149 = math.exp %dot_general3A_148 : vector<256x2048xf32>
    %reduce_sum3A_150 = arith.constant dense<0.000000e+00> : vector<256xf32>
    %reduce_sum3A_151 = vector.multi_reduction <add>, %exp3A_149, %reduce_sum3A_150 [1] : vector<256x2048xf32> to vector<256xf32>
    %broadcast_in_dim3A_152 = vector.shape_cast %reduce_sum3A_151 : vector<256xf32> to vector<256x1xf32>
    %div3A_153 = arith.constant 1.000000e+00 : f32
    %div3A_154 = vector.broadcast %div3A_153 : f32 to vector<256x1xf32>
    %div3A_155 = arith.divf %div3A_154, %broadcast_in_dim3A_152 : vector<256x1xf32>
    %convert_element_type3A_156 = arith.truncf %exp3A_149 : vector<256x2048xf32> to vector<256x2048xbf16>
    %dot_general3A_157 = arith.constant dense<0.000000e+00> : vector<256x64xf32>
    %dot_general3A_158 = tpu.matmul %convert_element_type3A_156, %slice3A_146, %dot_general3A_157 {dimension_numbers = #tpu.dot_dimension_numbers<[1], [0], [0], [1], [0, 0, 1, 1], [], []>, transpose_lhs_hint = false} : vector<256x2048xbf16>, vector<2048x64xbf16>, vector<256x64xf32> -> vector<256x64xf32>
    %mul3A_159 = vector.broadcast %div3A_155 : vector<256x1xf32> to vector<256x64xf32>
    %mul3A_160 = arith.mulf %dot_general3A_158, %mul3A_159 : vector<256x64xf32>
    %convert_element_type3A_161 = arith.truncf %mul3A_160 : vector<256x64xf32> to vector<256x64xbf16>
    %slice3A_162 = vector.extract_strided_slice %get3A_1 {offsets = [0, 576], sizes = [256, 64], strides = [1, 1]} : vector<256x1024xbf16> to vector<256x64xbf16>
    %slice3A_163 = vector.extract_strided_slice %get3A_4 {offsets = [0, 128], sizes = [2048, 64], strides = [1, 1]} : vector<2048x256xbf16> to vector<2048x64xbf16>
    %slice3A_164 = vector.extract_strided_slice %get3A_7 {offsets = [0, 128], sizes = [2048, 64], strides = [1, 1]} : vector<2048x256xbf16> to vector<2048x64xbf16>
    %dot_general3A_165 = arith.constant dense<0.000000e+00> : vector<256x2048xf32>
    %dot_general3A_166 = tpu.matmul %slice3A_162, %slice3A_163, %dot_general3A_165 {dimension_numbers = #tpu.dot_dimension_numbers<[1], [1], [0], [0], [0, 0, 1, 0], [], []>, transpose_lhs_hint = false} : vector<256x64xbf16>, vector<2048x64xbf16>, vector<256x2048xf32> -> vector<256x2048xf32>
    %exp3A_167 = math.exp %dot_general3A_166 : vector<256x2048xf32>
    %reduce_sum3A_168 = arith.constant dense<0.000000e+00> : vector<256xf32>
    %reduce_sum3A_169 = vector.multi_reduction <add>, %exp3A_167, %reduce_sum3A_168 [1] : vector<256x2048xf32> to vector<256xf32>
    %broadcast_in_dim3A_170 = vector.shape_cast %reduce_sum3A_169 : vector<256xf32> to vector<256x1xf32>
    %div3A_171 = arith.constant 1.000000e+00 : f32
    %div3A_172 = vector.broadcast %div3A_171 : f32 to vector<256x1xf32>
    %div3A_173 = arith.divf %div3A_172, %broadcast_in_dim3A_170 : vector<256x1xf32>
    %convert_element_type3A_174 = arith.truncf %exp3A_167 : vector<256x2048xf32> to vector<256x2048xbf16>
    %dot_general3A_175 = arith.constant dense<0.000000e+00> : vector<256x64xf32>
    %dot_general3A_176 = tpu.matmul %convert_element_type3A_174, %slice3A_164, %dot_general3A_175 {dimension_numbers = #tpu.dot_dimension_numbers<[1], [0], [0], [1], [0, 0, 1, 1], [], []>, transpose_lhs_hint = false} : vector<256x2048xbf16>, vector<2048x64xbf16>, vector<256x64xf32> -> vector<256x64xf32>
    %mul3A_177 = vector.broadcast %div3A_173 : vector<256x1xf32> to vector<256x64xf32>
    %mul3A_178 = arith.mulf %dot_general3A_176, %mul3A_177 : vector<256x64xf32>
    %convert_element_type3A_179 = arith.truncf %mul3A_178 : vector<256x64xf32> to vector<256x64xbf16>
    %slice3A_180 = vector.extract_strided_slice %get3A_1 {offsets = [0, 640], sizes = [256, 64], strides = [1, 1]} : vector<256x1024xbf16> to vector<256x64xbf16>
    %slice3A_181 = vector.extract_strided_slice %get3A_4 {offsets = [0, 128], sizes = [2048, 64], strides = [1, 1]} : vector<2048x256xbf16> to vector<2048x64xbf16>
    %slice3A_182 = vector.extract_strided_slice %get3A_7 {offsets = [0, 128], sizes = [2048, 64], strides = [1, 1]} : vector<2048x256xbf16> to vector<2048x64xbf16>
    %dot_general3A_183 = arith.constant dense<0.000000e+00> : vector<256x2048xf32>
    %dot_general3A_184 = tpu.matmul %slice3A_180, %slice3A_181, %dot_general3A_183 {dimension_numbers = #tpu.dot_dimension_numbers<[1], [1], [0], [0], [0, 0, 1, 0], [], []>, transpose_lhs_hint = false} : vector<256x64xbf16>, vector<2048x64xbf16>, vector<256x2048xf32> -> vector<256x2048xf32>
    %exp3A_185 = math.exp %dot_general3A_184 : vector<256x2048xf32>
    %reduce_sum3A_186 = arith.constant dense<0.000000e+00> : vector<256xf32>
    %reduce_sum3A_187 = vector.multi_reduction <add>, %exp3A_185, %reduce_sum3A_186 [1] : vector<256x2048xf32> to vector<256xf32>
    %broadcast_in_dim3A_188 = vector.shape_cast %reduce_sum3A_187 : vector<256xf32> to vector<256x1xf32>
    %div3A_189 = arith.constant 1.000000e+00 : f32
    %div3A_190 = vector.broadcast %div3A_189 : f32 to vector<256x1xf32>
    %div3A_191 = arith.divf %div3A_190, %broadcast_in_dim3A_188 : vector<256x1xf32>
    %convert_element_type3A_192 = arith.truncf %exp3A_185 : vector<256x2048xf32> to vector<256x2048xbf16>
    %dot_general3A_193 = arith.constant dense<0.000000e+00> : vector<256x64xf32>
    %dot_general3A_194 = tpu.matmul %convert_element_type3A_192, %slice3A_182, %dot_general3A_193 {dimension_numbers = #tpu.dot_dimension_numbers<[1], [0], [0], [1], [0, 0, 1, 1], [], []>, transpose_lhs_hint = false} : vector<256x2048xbf16>, vector<2048x64xbf16>, vector<256x64xf32> -> vector<256x64xf32>
    %mul3A_195 = vector.broadcast %div3A_191 : vector<256x1xf32> to vector<256x64xf32>
    %mul3A_196 = arith.mulf %dot_general3A_194, %mul3A_195 : vector<256x64xf32>
    %convert_element_type3A_197 = arith.truncf %mul3A_196 : vector<256x64xf32> to vector<256x64xbf16>
    %slice3A_198 = vector.extract_strided_slice %get3A_1 {offsets = [0, 704], sizes = [256, 64], strides = [1, 1]} : vector<256x1024xbf16> to vector<256x64xbf16>
    %slice3A_199 = vector.extract_strided_slice %get3A_4 {offsets = [0, 128], sizes = [2048, 64], strides = [1, 1]} : vector<2048x256xbf16> to vector<2048x64xbf16>
    %slice3A_200 = vector.extract_strided_slice %get3A_7 {offsets = [0, 128], sizes = [2048, 64], strides = [1, 1]} : vector<2048x256xbf16> to vector<2048x64xbf16>
    %dot_general3A_201 = arith.constant dense<0.000000e+00> : vector<256x2048xf32>
    %dot_general3A_202 = tpu.matmul %slice3A_198, %slice3A_199, %dot_general3A_201 {dimension_numbers = #tpu.dot_dimension_numbers<[1], [1], [0], [0], [0, 0, 1, 0], [], []>, transpose_lhs_hint = false} : vector<256x64xbf16>, vector<2048x64xbf16>, vector<256x2048xf32> -> vector<256x2048xf32>
    %exp3A_203 = math.exp %dot_general3A_202 : vector<256x2048xf32>
    %reduce_sum3A_204 = arith.constant dense<0.000000e+00> : vector<256xf32>
    %reduce_sum3A_205 = vector.multi_reduction <add>, %exp3A_203, %reduce_sum3A_204 [1] : vector<256x2048xf32> to vector<256xf32>
    %broadcast_in_dim3A_206 = vector.shape_cast %reduce_sum3A_205 : vector<256xf32> to vector<256x1xf32>
    %div3A_207 = arith.constant 1.000000e+00 : f32
    %div3A_208 = vector.broadcast %div3A_207 : f32 to vector<256x1xf32>
    %div3A_209 = arith.divf %div3A_208, %broadcast_in_dim3A_206 : vector<256x1xf32>
    %convert_element_type3A_210 = arith.truncf %exp3A_203 : vector<256x2048xf32> to vector<256x2048xbf16>
    %dot_general3A_211 = arith.constant dense<0.000000e+00> : vector<256x64xf32>
    %dot_general3A_212 = tpu.matmul %convert_element_type3A_210, %slice3A_200, %dot_general3A_211 {dimension_numbers = #tpu.dot_dimension_numbers<[1], [0], [0], [1], [0, 0, 1, 1], [], []>, transpose_lhs_hint = false} : vector<256x2048xbf16>, vector<2048x64xbf16>, vector<256x64xf32> -> vector<256x64xf32>
    %mul3A_213 = vector.broadcast %div3A_209 : vector<256x1xf32> to vector<256x64xf32>
    %mul3A_214 = arith.mulf %dot_general3A_212, %mul3A_213 : vector<256x64xf32>
    %convert_element_type3A_215 = arith.truncf %mul3A_214 : vector<256x64xf32> to vector<256x64xbf16>
    %slice3A_216 = vector.extract_strided_slice %get3A_1 {offsets = [0, 768], sizes = [256, 64], strides = [1, 1]} : vector<256x1024xbf16> to vector<256x64xbf16>
    %slice3A_217 = vector.extract_strided_slice %get3A_4 {offsets = [0, 192], sizes = [2048, 64], strides = [1, 1]} : vector<2048x256xbf16> to vector<2048x64xbf16>
    %slice3A_218 = vector.extract_strided_slice %get3A_7 {offsets = [0, 192], sizes = [2048, 64], strides = [1, 1]} : vector<2048x256xbf16> to vector<2048x64xbf16>
    %dot_general3A_219 = arith.constant dense<0.000000e+00> : vector<256x2048xf32>
    %dot_general3A_220 = tpu.matmul %slice3A_216, %slice3A_217, %dot_general3A_219 {dimension_numbers = #tpu.dot_dimension_numbers<[1], [1], [0], [0], [0, 0, 1, 0], [], []>, transpose_lhs_hint = false} : vector<256x64xbf16>, vector<2048x64xbf16>, vector<256x2048xf32> -> vector<256x2048xf32>
    %exp3A_221 = math.exp %dot_general3A_220 : vector<256x2048xf32>
    %reduce_sum3A_222 = arith.constant dense<0.000000e+00> : vector<256xf32>
    %reduce_sum3A_223 = vector.multi_reduction <add>, %exp3A_221, %reduce_sum3A_222 [1] : vector<256x2048xf32> to vector<256xf32>
    %broadcast_in_dim3A_224 = vector.shape_cast %reduce_sum3A_223 : vector<256xf32> to vector<256x1xf32>
    %div3A_225 = arith.constant 1.000000e+00 : f32
    %div3A_226 = vector.broadcast %div3A_225 : f32 to vector<256x1xf32>
    %div3A_227 = arith.divf %div3A_226, %broadcast_in_dim3A_224 : vector<256x1xf32>
    %convert_element_type3A_228 = arith.truncf %exp3A_221 : vector<256x2048xf32> to vector<256x2048xbf16>
    %dot_general3A_229 = arith.constant dense<0.000000e+00> : vector<256x64xf32>
    %dot_general3A_230 = tpu.matmul %convert_element_type3A_228, %slice3A_218, %dot_general3A_229 {dimension_numbers = #tpu.dot_dimension_numbers<[1], [0], [0], [1], [0, 0, 1, 1], [], []>, transpose_lhs_hint = false} : vector<256x2048xbf16>, vector<2048x64xbf16>, vector<256x64xf32> -> vector<256x64xf32>
    %mul3A_231 = vector.broadcast %div3A_227 : vector<256x1xf32> to vector<256x64xf32>
    %mul3A_232 = arith.mulf %dot_general3A_230, %mul3A_231 : vector<256x64xf32>
    %convert_element_type3A_233 = arith.truncf %mul3A_232 : vector<256x64xf32> to vector<256x64xbf16>
    %slice3A_234 = vector.extract_strided_slice %get3A_1 {offsets = [0, 832], sizes = [256, 64], strides = [1, 1]} : vector<256x1024xbf16> to vector<256x64xbf16>
    %slice3A_235 = vector.extract_strided_slice %get3A_4 {offsets = [0, 192], sizes = [2048, 64], strides = [1, 1]} : vector<2048x256xbf16> to vector<2048x64xbf16>
    %slice3A_236 = vector.extract_strided_slice %get3A_7 {offsets = [0, 192], sizes = [2048, 64], strides = [1, 1]} : vector<2048x256xbf16> to vector<2048x64xbf16>
    %dot_general3A_237 = arith.constant dense<0.000000e+00> : vector<256x2048xf32>
    %dot_general3A_238 = tpu.matmul %slice3A_234, %slice3A_235, %dot_general3A_237 {dimension_numbers = #tpu.dot_dimension_numbers<[1], [1], [0], [0], [0, 0, 1, 0], [], []>, transpose_lhs_hint = false} : vector<256x64xbf16>, vector<2048x64xbf16>, vector<256x2048xf32> -> vector<256x2048xf32>
    %exp3A_239 = math.exp %dot_general3A_238 : vector<256x2048xf32>
    %reduce_sum3A_240 = arith.constant dense<0.000000e+00> : vector<256xf32>
    %reduce_sum3A_241 = vector.multi_reduction <add>, %exp3A_239, %reduce_sum3A_240 [1] : vector<256x2048xf32> to vector<256xf32>
    %broadcast_in_dim3A_242 = vector.shape_cast %reduce_sum3A_241 : vector<256xf32> to vector<256x1xf32>
    %div3A_243 = arith.constant 1.000000e+00 : f32
    %div3A_244 = vector.broadcast %div3A_243 : f32 to vector<256x1xf32>
    %div3A_245 = arith.divf %div3A_244, %broadcast_in_dim3A_242 : vector<256x1xf32>
    %convert_element_type3A_246 = arith.truncf %exp3A_239 : vector<256x2048xf32> to vector<256x2048xbf16>
    %dot_general3A_247 = arith.constant dense<0.000000e+00> : vector<256x64xf32>
    %dot_general3A_248 = tpu.matmul %convert_element_type3A_246, %slice3A_236, %dot_general3A_247 {dimension_numbers = #tpu.dot_dimension_numbers<[1], [0], [0], [1], [0, 0, 1, 1], [], []>, transpose_lhs_hint = false} : vector<256x2048xbf16>, vector<2048x64xbf16>, vector<256x64xf32> -> vector<256x64xf32>
    %mul3A_249 = vector.broadcast %div3A_245 : vector<256x1xf32> to vector<256x64xf32>
    %mul3A_250 = arith.mulf %dot_general3A_248, %mul3A_249 : vector<256x64xf32>
    %convert_element_type3A_251 = arith.truncf %mul3A_250 : vector<256x64xf32> to vector<256x64xbf16>
    %slice3A_252 = vector.extract_strided_slice %get3A_1 {offsets = [0, 896], sizes = [256, 64], strides = [1, 1]} : vector<256x1024xbf16> to vector<256x64xbf16>
    %slice3A_253 = vector.extract_strided_slice %get3A_4 {offsets = [0, 192], sizes = [2048, 64], strides = [1, 1]} : vector<2048x256xbf16> to vector<2048x64xbf16>
    %slice3A_254 = vector.extract_strided_slice %get3A_7 {offsets = [0, 192], sizes = [2048, 64], strides = [1, 1]} : vector<2048x256xbf16> to vector<2048x64xbf16>
    %dot_general3A_255 = arith.constant dense<0.000000e+00> : vector<256x2048xf32>
    %dot_general3A_256 = tpu.matmul %slice3A_252, %slice3A_253, %dot_general3A_255 {dimension_numbers = #tpu.dot_dimension_numbers<[1], [1], [0], [0], [0, 0, 1, 0], [], []>, transpose_lhs_hint = false} : vector<256x64xbf16>, vector<2048x64xbf16>, vector<256x2048xf32> -> vector<256x2048xf32>
    %exp3A_257 = math.exp %dot_general3A_256 : vector<256x2048xf32>
    %reduce_sum3A_258 = arith.constant dense<0.000000e+00> : vector<256xf32>
    %reduce_sum3A_259 = vector.multi_reduction <add>, %exp3A_257, %reduce_sum3A_258 [1] : vector<256x2048xf32> to vector<256xf32>
    %broadcast_in_dim3A_260 = vector.shape_cast %reduce_sum3A_259 : vector<256xf32> to vector<256x1xf32>
    %div3A_261 = arith.constant 1.000000e+00 : f32
    %div3A_262 = vector.broadcast %div3A_261 : f32 to vector<256x1xf32>
    %div3A_263 = arith.divf %div3A_262, %broadcast_in_dim3A_260 : vector<256x1xf32>
    %convert_element_type3A_264 = arith.truncf %exp3A_257 : vector<256x2048xf32> to vector<256x2048xbf16>
    %dot_general3A_265 = arith.constant dense<0.000000e+00> : vector<256x64xf32>
    %dot_general3A_266 = tpu.matmul %convert_element_type3A_264, %slice3A_254, %dot_general3A_265 {dimension_numbers = #tpu.dot_dimension_numbers<[1], [0], [0], [1], [0, 0, 1, 1], [], []>, transpose_lhs_hint = false} : vector<256x2048xbf16>, vector<2048x64xbf16>, vector<256x64xf32> -> vector<256x64xf32>
    %mul3A_267 = vector.broadcast %div3A_263 : vector<256x1xf32> to vector<256x64xf32>
    %mul3A_268 = arith.mulf %dot_general3A_266, %mul3A_267 : vector<256x64xf32>
    %convert_element_type3A_269 = arith.truncf %mul3A_268 : vector<256x64xf32> to vector<256x64xbf16>
    %slice3A_270 = vector.extract_strided_slice %get3A_1 {offsets = [0, 960], sizes = [256, 64], strides = [1, 1]} : vector<256x1024xbf16> to vector<256x64xbf16>
    %slice3A_271 = vector.extract_strided_slice %get3A_4 {offsets = [0, 192], sizes = [2048, 64], strides = [1, 1]} : vector<2048x256xbf16> to vector<2048x64xbf16>
    %slice3A_272 = vector.extract_strided_slice %get3A_7 {offsets = [0, 192], sizes = [2048, 64], strides = [1, 1]} : vector<2048x256xbf16> to vector<2048x64xbf16>
    %dot_general3A_273 = arith.constant dense<0.000000e+00> : vector<256x2048xf32>
    %dot_general3A_274 = tpu.matmul %slice3A_270, %slice3A_271, %dot_general3A_273 {dimension_numbers = #tpu.dot_dimension_numbers<[1], [1], [0], [0], [0, 0, 1, 0], [], []>, transpose_lhs_hint = false} : vector<256x64xbf16>, vector<2048x64xbf16>, vector<256x2048xf32> -> vector<256x2048xf32>
    %exp3A_275 = math.exp %dot_general3A_274 : vector<256x2048xf32>
    %reduce_sum3A_276 = arith.constant dense<0.000000e+00> : vector<256xf32>
    %reduce_sum3A_277 = vector.multi_reduction <add>, %exp3A_275, %reduce_sum3A_276 [1] : vector<256x2048xf32> to vector<256xf32>
    %broadcast_in_dim3A_278 = vector.shape_cast %reduce_sum3A_277 : vector<256xf32> to vector<256x1xf32>
    %div3A_279 = arith.constant 1.000000e+00 : f32
    %div3A_280 = vector.broadcast %div3A_279 : f32 to vector<256x1xf32>
    %div3A_281 = arith.divf %div3A_280, %broadcast_in_dim3A_278 : vector<256x1xf32>
    %convert_element_type3A_282 = arith.truncf %exp3A_275 : vector<256x2048xf32> to vector<256x2048xbf16>
    %dot_general3A_283 = arith.constant dense<0.000000e+00> : vector<256x64xf32>
    %dot_general3A_284 = tpu.matmul %convert_element_type3A_282, %slice3A_272, %dot_general3A_283 {dimension_numbers = #tpu.dot_dimension_numbers<[1], [0], [0], [1], [0, 0, 1, 1], [], []>, transpose_lhs_hint = false} : vector<256x2048xbf16>, vector<2048x64xbf16>, vector<256x64xf32> -> vector<256x64xf32>
    %mul3A_285 = vector.broadcast %div3A_281 : vector<256x1xf32> to vector<256x64xf32>
    %mul3A_286 = arith.mulf %dot_general3A_284, %mul3A_285 : vector<256x64xf32>
    %convert_element_type3A_287 = arith.truncf %mul3A_286 : vector<256x64xf32> to vector<256x64xbf16>
    %concatenate3A = tpu.concatenate %convert_element_type3A_17, %convert_element_type3A_35, %convert_element_type3A_53, %convert_element_type3A_71, %convert_element_type3A_89, %convert_element_type3A_107, %convert_element_type3A_125, %convert_element_type3A_143, %convert_element_type3A_161, %convert_element_type3A_179, %convert_element_type3A_197, %convert_element_type3A_215, %convert_element_type3A_233, %convert_element_type3A_251, %convert_element_type3A_269, %convert_element_type3A_287 in 1 : vector<256x64xbf16>, vector<256x64xbf16>, vector<256x64xbf16>, vector<256x64xbf16>, vector<256x64xbf16>, vector<256x64xbf16>, vector<256x64xbf16>, vector<256x64xbf16>, vector<256x64xbf16>, vector<256x64xbf16>, vector<256x64xbf16>, vector<256x64xbf16>, vector<256x64xbf16>, vector<256x64xbf16>, vector<256x64xbf16>, vector<256x64xbf16> -> vector<256x1024xbf16>
    %get3A_288 = arith.constant 0 : index
    %get3A_289 = arith.constant 0 : index
    %get3A_290 = vector.load %arg5[%get3A_288, %get3A_289] : memref<256x1024xf32, #tpu.memory_space<vmem>>, vector<256x1024xf32>
    %get3A_291 = arith.constant 0 : index
    %get3A_292 = arith.constant 0 : index
    %get3A_293 = vector.load %arg4[%get3A_291, %get3A_292] : memref<1024x1024xf32, #tpu.memory_space<vmem>>, vector<1024x1024xf32>
    %convert_element_type3A_294 = arith.truncf %get3A_293 : vector<1024x1024xf32> to vector<1024x1024xbf16>
    %dot_general3A_295 = arith.constant dense<0.000000e+00> : vector<256x1024xf32>
    %dot_general3A_296 = tpu.matmul %concatenate3A, %convert_element_type3A_294, %dot_general3A_295 {dimension_numbers = #tpu.dot_dimension_numbers<[1], [0], [0], [1], [0, 0, 1, 1], [], []>, transpose_lhs_hint = false} : vector<256x1024xbf16>, vector<1024x1024xbf16>, vector<256x1024xf32> -> vector<256x1024xf32>
    %add3A = arith.addf %get3A_290, %dot_general3A_296 : vector<256x1024xf32>
    %swap3A = arith.constant 0 : index
    %swap3A_297 = arith.constant 0 : index
    %swap3A_298 = vector.load %arg8[%swap3A, %swap3A_297] : memref<256x1024xf32, #tpu.memory_space<vmem>>, vector<256x1024xf32>
    tpu.vector_store %arg8[%swap3A, %swap3A_297], %add3A {strides = array<i32>} : memref<256x1024xf32, #tpu.memory_space<vmem>>, vector<256x1024xf32>,
    %mul3A_299 = arith.mulf %add3A, %add3A : vector<256x1024xf32>
    %reduce_sum3A_300 = arith.constant dense<0.000000e+00> : vector<256xf32>
    %reduce_sum3A_301 = vector.multi_reduction <add>, %mul3A_299, %reduce_sum3A_300 [1] : vector<256x1024xf32> to vector<256xf32>
    %broadcast_in_dim3A_302 = vector.shape_cast %reduce_sum3A_301 : vector<256xf32> to vector<256x1xf32>
    %div3A_303 = arith.constant 1.024000e+03 : f32
    %div3A_304 = vector.broadcast %div3A_303 : f32 to vector<256x1xf32>
    %div3A_305 = arith.divf %broadcast_in_dim3A_302, %div3A_304 : vector<256x1xf32>
    %add3A_306 = arith.constant 9.99999997E-7 : f32
    %add3A_307 = vector.broadcast %add3A_306 : f32 to vector<256x1xf32>
    %add3A_308 = arith.addf %div3A_305, %add3A_307 : vector<256x1xf32>
    %rsqrt3A = math.rsqrt %add3A_308 : vector<256x1xf32>
    %mul3A_309 = vector.broadcast %rsqrt3A : vector<256x1xf32> to vector<256x1024xf32>
    %mul3A_310 = arith.mulf %add3A, %mul3A_309 : vector<256x1024xf32>
    %get3A_311 = arith.constant 0 : index
    %get3A_312 = arith.constant 0 : index
    %get3A_313 = vector.load %arg6[%get3A_311, %get3A_312] : memref<1x1024xf32, #tpu.memory_space<vmem>>, vector<1x1024xf32>
    %mul3A_314 = vector.broadcast %get3A_313 : vector<1x1024xf32> to vector<256x1024xf32>
    %mul3A_315 = arith.mulf %mul3A_310, %mul3A_314 : vector<256x1024xf32>
    %swap3A_316 = arith.constant 0 : index
    %swap3A_317 = arith.constant 0 : index
    %swap3A_318 = vector.load %arg9[%swap3A_316, %swap3A_317] : memref<256x1024xf32, #tpu.memory_space<vmem>>, vector<256x1024xf32>
    tpu.vector_store %arg9[%swap3A_316, %swap3A_317], %mul3A_315 {strides = array<i32>} : memref<256x1024xf32, #tpu.memory_space<vmem>>, vector<256x1024xf32>,
    %get3A_319 = arith.constant 0 : index
    %get3A_320 = arith.constant 0 : index
    %get3A_321 = vector.load %arg7[%get3A_319, %get3A_320] : memref<1024x8xf32, #tpu.memory_space<vmem>>, vector<1024x8xf32>
    %dot_general3A_322 = arith.constant dense<0.000000e+00> : vector<256x8xf32>
    %dot_general3A_323 = tpu.matmul %mul3A_315, %get3A_321, %dot_general3A_322 {dimension_numbers = #tpu.dot_dimension_numbers<[1], [0], [0], [1], [0, 0, 1, 1], [], []>, transpose_lhs_hint = false} : vector<256x1024xf32>, vector<1024x8xf32>, vector<256x8xf32> -> vector<256x8xf32>
    %reduce_max3A = arith.constant dense<0xFF800000> : vector<256xf32>
    %reduce_max3A_324 = vector.multi_reduction <maximumf>, %dot_general3A_323, %reduce_max3A [1] : vector<256x8xf32> to vector<256xf32>
    %broadcast_in_dim3A_325 = vector.shape_cast %reduce_max3A_324 : vector<256xf32> to vector<256x1xf32>
    %sub3A = vector.broadcast %broadcast_in_dim3A_325 : vector<256x1xf32> to vector<256x8xf32>
    %sub3A_326 = arith.subf %dot_general3A_323, %sub3A : vector<256x8xf32>
    %exp3A_327 = math.exp %sub3A_326 : vector<256x8xf32>
    %reduce_sum3A_328 = arith.constant dense<0.000000e+00> : vector<256xf32>
    %reduce_sum3A_329 = vector.multi_reduction <add>, %exp3A_327, %reduce_sum3A_328 [1] : vector<256x8xf32> to vector<256xf32>
    %broadcast_in_dim3A_330 = vector.shape_cast %reduce_sum3A_329 : vector<256xf32> to vector<256x1xf32>
    %div3A_331 = vector.broadcast %broadcast_in_dim3A_330 : vector<256x1xf32> to vector<256x8xf32>
    %div3A_332 = arith.divf %exp3A_327, %div3A_331 : vector<256x8xf32>
    %iota3A = tpu.iota {dimensions = array<i32: 1>} : vector<256x8xi32>
    %reduce_max3A_333 = arith.constant dense<0xFF800000> : vector<256xf32>
    %reduce_max3A_334 = vector.multi_reduction <maximumf>, %div3A_332, %reduce_max3A_333 [1] : vector<256x8xf32> to vector<256xf32>
    %broadcast_in_dim3A_335 = vector.shape_cast %reduce_max3A_334 : vector<256xf32> to vector<256x1xf32>
    %eq3A = vector.broadcast %broadcast_in_dim3A_335 : vector<256x1xf32> to vector<256x8xf32>
    %eq3A_336 = arith.cmpf oeq, %div3A_332, %eq3A : vector<256x8xf32>
    %jit3A = arith.constant 8 : i32
    %broadcast_in_dim3A_337 = vector.broadcast %jit3A : i32 to vector<256x8xi32>
    %select_n3A = arith.select %eq3A_336, %iota3A, %broadcast_in_dim3A_337 : vector<256x8xi1>, vector<256x8xi32>
    %reduce_min3A = arith.constant dense<2147483647> : vector<256xi32>
    %reduce_min3A_338 = vector.multi_reduction <minsi>, %select_n3A, %reduce_min3A [1] : vector<256x8xi32> to vector<256xi32>
    %broadcast_in_dim3A_339 = vector.shape_cast %reduce_min3A_338 : vector<256xi32> to vector<256x1xi32>
    %eq3A_340 = vector.broadcast %broadcast_in_dim3A_339 : vector<256x1xi32> to vector<256x8xi32>
    %eq3A_341 = arith.cmpi eq, %iota3A, %eq3A_340 : vector<256x8xi32>
    %jit3A_342 = arith.constant 0xFF800000 : f32
    %broadcast_in_dim3A_343 = vector.broadcast %jit3A_342 : f32 to vector<256x8xf32>
    %select_n3A_344 = arith.select %eq3A_341, %broadcast_in_dim3A_343, %div3A_332 : vector<256x8xi1>, vector<256x8xf32>
    %reduce_max3A_345 = arith.constant dense<0xFF800000> : vector<256xf32>
    %reduce_max3A_346 = vector.multi_reduction <maximumf>, %select_n3A_344, %reduce_max3A_345 [1] : vector<256x8xf32> to vector<256xf32>
    %broadcast_in_dim3A_347 = vector.shape_cast %reduce_max3A_346 : vector<256xf32> to vector<256x1xf32>
    %eq3A_348 = vector.broadcast %broadcast_in_dim3A_347 : vector<256x1xf32> to vector<256x8xf32>
    %eq3A_349 = arith.cmpf oeq, %select_n3A_344, %eq3A_348 : vector<256x8xf32>
    %jit3A_350 = arith.constant 8 : i32
    %broadcast_in_dim3A_351 = vector.broadcast %jit3A_350 : i32 to vector<256x8xi32>
    %select_n3A_352 = arith.select %eq3A_349, %iota3A, %broadcast_in_dim3A_351 : vector<256x8xi1>, vector<256x8xi32>
    %reduce_min3A_353 = arith.constant dense<2147483647> : vector<256xi32>
    %reduce_min3A_354 = vector.multi_reduction <minsi>, %select_n3A_352, %reduce_min3A_353 [1] : vector<256x8xi32> to vector<256xi32>
    %broadcast_in_dim3A_355 = vector.shape_cast %reduce_min3A_354 : vector<256xi32> to vector<256x1xi32>
    %eq3A_356 = vector.broadcast %broadcast_in_dim3A_339 : vector<256x1xi32> to vector<256x8xi32>
    %eq3A_357 = arith.cmpi eq, %iota3A, %eq3A_356 : vector<256x8xi32>
    %convert_element_type3A_358 = arith.extui %eq3A_357 : vector<256x8xi1> to vector<256x8xi32>
    %convert_element_type3A_359 = arith.sitofp %convert_element_type3A_358 : vector<256x8xi32> to vector<256x8xf32>
    %mul3A_360 = arith.constant 256 : i32
    %mul3A_361 = arith.muli %arg0, %mul3A_360 : i32
    %swap3A_362 = arith.index_cast %mul3A_361 : i32 to index
    %swap3A_363 = arith.constant 0 : index
    %swap3A_364 = vector.load %arg15[%swap3A_362, %swap3A_363] : memref<2048x8xf32, #tpu.memory_space<vmem>>, vector<256x8xf32>
    tpu.vector_store %arg15[%swap3A_362, %swap3A_363], %convert_element_type3A_359 {strides = array<i32>} : memref<2048x8xf32, #tpu.memory_space<vmem>>, vector<256x8xf32>,
    %eq3A_365 = vector.broadcast %broadcast_in_dim3A_355 : vector<256x1xi32> to vector<256x8xi32>
    %eq3A_366 = arith.cmpi eq, %iota3A, %eq3A_365 : vector<256x8xi32>
    %convert_element_type3A_367 = arith.extui %eq3A_366 : vector<256x8xi1> to vector<256x8xi32>
    %convert_element_type3A_368 = arith.sitofp %convert_element_type3A_367 : vector<256x8xi32> to vector<256x8xf32>
    %mul3A_369 = arith.constant 256 : i32
    %mul3A_370 = arith.muli %arg0, %mul3A_369 : i32
    %swap3A_371 = arith.index_cast %mul3A_370 : i32 to index
    %swap3A_372 = arith.constant 0 : index
    %swap3A_373 = vector.load %arg16[%swap3A_371, %swap3A_372] : memref<2048x8xf32, #tpu.memory_space<vmem>>, vector<256x8xf32>
    tpu.vector_store %arg16[%swap3A_371, %swap3A_372], %convert_element_type3A_368 {strides = array<i32>} : memref<2048x8xf32, #tpu.memory_space<vmem>>, vector<256x8xf32>,
    %squeeze3A = vector.shape_cast %broadcast_in_dim3A_335 : vector<256x1xf32> to vector<256xf32>
    %swap3A_374 = arith.constant 0 : index
    %swap3A_375 = vector.load %arg10[%swap3A_374] : memref<256xf32, #tpu.memory_space<vmem>>, vector<256xf32>
    tpu.vector_store %arg10[%swap3A_374], %squeeze3A {strides = array<i32>} : memref<256xf32, #tpu.memory_space<vmem>>, vector<256xf32>,
    %squeeze3A_376 = vector.shape_cast %broadcast_in_dim3A_347 : vector<256x1xf32> to vector<256xf32>
    %swap3A_377 = arith.constant 0 : index
    %swap3A_378 = vector.load %arg11[%swap3A_377] : memref<256xf32, #tpu.memory_space<vmem>>, vector<256xf32>
    tpu.vector_store %arg11[%swap3A_377], %squeeze3A_376 {strides = array<i32>} : memref<256xf32, #tpu.memory_space<vmem>>, vector<256xf32>,
    %eq3A_379 = arith.constant 7 : i32
    %eq3A_380 = arith.cmpi eq, %arg0, %eq3A_379 : i32
    %convert_element_type3A_381 = arith.extui %eq3A_380 : i1 to i32
    %cond3A = arith.constant 0 : i32
    %cond3A_382 = arith.cmpi ne, %convert_element_type3A_381, %cond3A : i32
    scf.if %cond3A_382 {
      %get3A_383 = arith.constant 0 : index
      %get3A_384 = arith.constant 0 : index
      %get3A_385 = vector.load %arg15[%get3A_383, %get3A_384] : memref<2048x8xf32, #tpu.memory_space<vmem>>, vector<2048x8xf32>
      %get3A_386 = arith.constant 0 : index
      %get3A_387 = arith.constant 0 : index
      %get3A_388 = vector.load %arg16[%get3A_386, %get3A_387] : memref<2048x8xf32, #tpu.memory_space<vmem>>, vector<2048x8xf32>
      %convert_element_type3A_389 = arith.truncf %get3A_385 : vector<2048x8xf32> to vector<2048x8xbf16>
      %convert_element_type3A_390 = arith.truncf %get3A_388 : vector<2048x8xf32> to vector<2048x8xbf16>
      %iota3A_391 = tpu.iota {dimensions = array<i32: 0>} : vector<2048x2048xi32>
      %iota3A_392 = tpu.iota {dimensions = array<i32: 1>} : vector<2048x2048xi32>
      %lt3A = arith.cmpi slt, %iota3A_392, %iota3A_391 : vector<2048x2048xi32>
      %convert_element_type3A_393 = arith.extui %lt3A : vector<2048x2048xi1> to vector<2048x2048xi32>
      %convert_element_type3A_394 = arith.sitofp %convert_element_type3A_393 : vector<2048x2048xi32> to vector<2048x2048xf32>
      %convert_element_type3A_395 = arith.truncf %convert_element_type3A_394 : vector<2048x2048xf32> to vector<2048x2048xbf16>
      %dot_general3A_396 = arith.constant dense<0.000000e+00> : vector<2048x8xf32>
      %dot_general3A_397 = tpu.matmul %convert_element_type3A_395, %convert_element_type3A_389, %dot_general3A_396 {dimension_numbers = #tpu.dot_dimension_numbers<[1], [0], [0], [1], [0, 0, 1, 1], [], []>, transpose_lhs_hint = false} : vector<2048x2048xbf16>, vector<2048x8xbf16>, vector<2048x8xf32> -> vector<2048x8xf32>
      %dot_general3A_398 = arith.constant dense<0.000000e+00> : vector<2048x8xf32>
      %dot_general3A_399 = tpu.matmul %convert_element_type3A_395, %convert_element_type3A_390, %dot_general3A_398 {dimension_numbers = #tpu.dot_dimension_numbers<[1], [0], [0], [1], [0, 0, 1, 1], [], []>, transpose_lhs_hint = false} : vector<2048x2048xbf16>, vector<2048x8xbf16>, vector<2048x8xf32> -> vector<2048x8xf32>
      %reduce_sum3A_400 = arith.constant dense<0.000000e+00> : vector<8xf32>
      %reduce_sum3A_401 = vector.multi_reduction <add>, %get3A_385, %reduce_sum3A_400 [0] : vector<2048x8xf32> to vector<8xf32>
      %broadcast_in_dim3A_402 = vector.shape_cast %reduce_sum3A_401 : vector<8xf32> to vector<1x8xf32>
      %reduce_sum3A_403 = arith.constant dense<0.000000e+00> : vector<8xf32>
      %reduce_sum3A_404 = vector.multi_reduction <add>, %get3A_388, %reduce_sum3A_403 [0] : vector<2048x8xf32> to vector<8xf32>
      %broadcast_in_dim3A_405 = vector.shape_cast %reduce_sum3A_404 : vector<8xf32> to vector<1x8xf32>
      %add3A_406 = arith.addf %broadcast_in_dim3A_402, %broadcast_in_dim3A_405 : vector<1x8xf32>
      %add3A_407 = arith.constant 1.270000e+02 : f32
      %add3A_408 = vector.broadcast %add3A_407 : f32 to vector<1x8xf32>
      %add3A_409 = arith.addf %add3A_406, %add3A_408 : vector<1x8xf32>
      %mul3A_410 = arith.constant 7.812500e-03 : f32
      %mul3A_411 = vector.broadcast %mul3A_410 : f32 to vector<1x8xf32>
      %mul3A_412 = arith.mulf %add3A_409, %mul3A_411 : vector<1x8xf32>
      %floor3A = math.floor %mul3A_412 : vector<1x8xf32>
      %iota3A_413 = tpu.iota {dimensions = array<i32: 0>} : vector<8x8xi32>
      %iota3A_414 = tpu.iota {dimensions = array<i32: 1>} : vector<8x8xi32>
      %lt3A_415 = arith.cmpi slt, %iota3A_413, %iota3A_414 : vector<8x8xi32>
      %convert_element_type3A_416 = arith.extui %lt3A_415 : vector<8x8xi1> to vector<8x8xi32>
      %convert_element_type3A_417 = arith.sitofp %convert_element_type3A_416 : vector<8x8xi32> to vector<8x8xf32>
      %dot_general3A_418 = arith.constant dense<0.000000e+00> : vector<1x8xf32>
      %dot_general3A_419 = tpu.matmul %floor3A, %convert_element_type3A_417, %dot_general3A_418 {dimension_numbers = #tpu.dot_dimension_numbers<[1], [0], [0], [1], [0, 0, 1, 1], [], []>, transpose_lhs_hint = false} : vector<1x8xf32>, vector<8x8xf32>, vector<1x8xf32> -> vector<1x8xf32>
      %mul3A_420 = arith.constant 1.280000e+02 : f32
      %mul3A_421 = vector.broadcast %mul3A_420 : f32 to vector<1x8xf32>
      %mul3A_422 = arith.mulf %dot_general3A_419, %mul3A_421 : vector<1x8xf32>
      %add3A_423 = vector.broadcast %mul3A_422 : vector<1x8xf32> to vector<2048x8xf32>
      %add3A_424 = arith.addf %dot_general3A_397, %add3A_423 : vector<2048x8xf32>
      %mul3A_425 = arith.mulf %get3A_385, %add3A_424 : vector<2048x8xf32>
      %reduce_sum3A_426 = arith.constant dense<0.000000e+00> : vector<2048xf32>
      %reduce_sum3A_427 = vector.multi_reduction <add>, %mul3A_425, %reduce_sum3A_426 [1] : vector<2048x8xf32> to vector<2048xf32>
      %add3A_428 = vector.broadcast %broadcast_in_dim3A_402 : vector<1x8xf32> to vector<2048x8xf32>
      %add3A_429 = arith.addf %dot_general3A_399, %add3A_428 : vector<2048x8xf32>
      %add3A_430 = vector.broadcast %mul3A_422 : vector<1x8xf32> to vector<2048x8xf32>
      %add3A_431 = arith.addf %add3A_429, %add3A_430 : vector<2048x8xf32>
      %mul3A_432 = arith.mulf %get3A_388, %add3A_431 : vector<2048x8xf32>
      %reduce_sum3A_433 = arith.constant dense<0.000000e+00> : vector<2048xf32>
      %reduce_sum3A_434 = vector.multi_reduction <add>, %mul3A_432, %reduce_sum3A_433 [1] : vector<2048x8xf32> to vector<2048xf32>
      %convert_element_type3A_435 = arith.fptosi %reduce_sum3A_427 : vector<2048xf32> to vector<2048xi32>
      %swap3A_436 = arith.constant 0 : index
      %swap3A_437 = vector.load %arg12[%swap3A_436] : memref<2048xi32, #tpu.memory_space<vmem>>, vector<2048xi32>
      tpu.vector_store %arg12[%swap3A_436], %convert_element_type3A_435 {strides = array<i32>} : memref<2048xi32, #tpu.memory_space<vmem>>, vector<2048xi32>,
      %convert_element_type3A_438 = arith.fptosi %reduce_sum3A_434 : vector<2048xf32> to vector<2048xi32>
      %swap3A_439 = arith.constant 0 : index
      %swap3A_440 = vector.load %arg13[%swap3A_439] : memref<2048xi32, #tpu.memory_space<vmem>>, vector<2048xi32>
      tpu.vector_store %arg13[%swap3A_439], %convert_element_type3A_438 {strides = array<i32>} : memref<2048xi32, #tpu.memory_space<vmem>>, vector<2048xi32>,
      %add3A_441 = arith.addf %get3A_385, %get3A_388 : vector<2048x8xf32>
      %broadcast_in_dim3A_442 = arith.constant 1.000000e+00 : f32
      %broadcast_in_dim3A_443 = vector.broadcast %broadcast_in_dim3A_442 : f32 to vector<2048x1xf32>
      %dot_general3A_444 = arith.constant dense<0.000000e+00> : vector<8x1xf32>
      %dot_general3A_445 = tpu.matmul %add3A_441, %broadcast_in_dim3A_443, %dot_general3A_444 {dimension_numbers = #tpu.dot_dimension_numbers<[0], [0], [1], [1], [0, 1, 1, 1], [], []>, transpose_lhs_hint = false} : vector<2048x8xf32>, vector<2048x1xf32>, vector<8x1xf32> -> vector<8x1xf32>
      %add3A_446 = arith.constant 1.270000e+02 : f32
      %add3A_447 = vector.broadcast %add3A_446 : f32 to vector<8x1xf32>
      %add3A_448 = arith.addf %dot_general3A_445, %add3A_447 : vector<8x1xf32>
      %mul3A_449 = arith.constant 7.812500e-03 : f32
      %mul3A_450 = vector.broadcast %mul3A_449 : f32 to vector<8x1xf32>
      %mul3A_451 = arith.mulf %add3A_448, %mul3A_450 : vector<8x1xf32>
      %floor3A_452 = math.floor %mul3A_451 : vector<8x1xf32>
      %lt3A_453 = arith.cmpi slt, %iota3A_414, %iota3A_413 : vector<8x8xi32>
      %convert_element_type3A_454 = arith.extui %lt3A_453 : vector<8x8xi1> to vector<8x8xi32>
      %convert_element_type3A_455 = arith.sitofp %convert_element_type3A_454 : vector<8x8xi32> to vector<8x8xf32>
      %dot_general3A_456 = arith.constant dense<0.000000e+00> : vector<8x1xf32>
      %dot_general3A_457 = tpu.matmul %convert_element_type3A_455, %floor3A_452, %dot_general3A_456 {dimension_numbers = #tpu.dot_dimension_numbers<[1], [0], [0], [1], [0, 0, 1, 1], [], []>, transpose_lhs_hint = false} : vector<8x8xf32>, vector<8x1xf32>, vector<8x1xf32> -> vector<8x1xf32>
      %iota3A_458 = tpu.iota {dimensions = array<i32: 1>} : vector<8x40xi32>
      %convert_element_type3A_459 = arith.sitofp %iota3A_458 : vector<8x40xi32> to vector<8x40xf32>
      %ge3A = vector.broadcast %dot_general3A_457 : vector<8x1xf32> to vector<8x40xf32>
      %ge3A_460 = arith.cmpf oge, %convert_element_type3A_459, %ge3A : vector<8x40xf32>
      %convert_element_type3A_461 = arith.extui %ge3A_460 : vector<8x40xi1> to vector<8x40xi32>
      %convert_element_type3A_462 = arith.sitofp %convert_element_type3A_461 : vector<8x40xi32> to vector<8x40xf32>
      %reduce_sum3A_463 = arith.constant dense<0.000000e+00> : vector<40xf32>
      %reduce_sum3A_464 = vector.multi_reduction <add>, %convert_element_type3A_462, %reduce_sum3A_463 [0] : vector<8x40xf32> to vector<40xf32>
      %broadcast_in_dim3A_465 = vector.shape_cast %reduce_sum3A_464 : vector<40xf32> to vector<1x40xf32>
      %sub3A_466 = arith.constant 1.000000e+00 : f32
      %sub3A_467 = vector.broadcast %sub3A_466 : f32 to vector<1x40xf32>
      %sub3A_468 = arith.subf %broadcast_in_dim3A_465, %sub3A_467 : vector<1x40xf32>
      %reduce_sum3A_469 = vector.shape_cast %floor3A_452 : vector<8x1xf32> to vector<1x8x1xf32>
      %reduce_sum3A_470 = arith.constant dense<0.000000e+00> : vector<1xf32>
      %reduce_sum3A_471 = vector.multi_reduction <add>, %reduce_sum3A_469, %reduce_sum3A_470 [1, 2] : vector<1x8x1xf32> to vector<1xf32>
      %reduce_sum3A_472 = vector.shape_cast %reduce_sum3A_471 : vector<1xf32> to vector<1x1x1xf32>
      %reduce_sum3A_473 = vector.extract %reduce_sum3A_472[0, 0, 0] : f32 from vector<1x1x1xf32>
      %iota3A_474 = tpu.iota {dimensions = array<i32: 1>} : vector<1x40xi32>
      %convert_element_type3A_475 = arith.sitofp %iota3A_474 : vector<1x40xi32> to vector<1x40xf32>
      %lt3A_476 = vector.broadcast %reduce_sum3A_473 : f32 to vector<1x40xf32>
      %lt3A_477 = arith.cmpf olt, %convert_element_type3A_475, %lt3A_476 : vector<1x40xf32>
      %jit3A_478 = arith.constant -1.000000e+00 : f32
      %broadcast_in_dim3A_479 = vector.broadcast %jit3A_478 : f32 to vector<1x40xf32>
      %select_n3A_480 = arith.select %lt3A_477, %sub3A_468, %broadcast_in_dim3A_479 : vector<1x40xi1>, vector<1x40xf32>
      %squeeze3A_481 = vector.shape_cast %select_n3A_480 : vector<1x40xf32> to vector<40xf32>
      %convert_element_type3A_482 = arith.fptosi %squeeze3A_481 : vector<40xf32> to vector<40xi32>
      %swap3A_483 = arith.constant 0 : index
      %swap3A_484 = vector.load %arg14[%swap3A_483] : memref<40xi32, #tpu.memory_space<vmem>>, vector<40xi32>
      tpu.vector_store %arg14[%swap3A_483], %convert_element_type3A_482 {strides = array<i32>} : memref<40xi32, #tpu.memory_space<vmem>>, vector<40xi32>,
    } else {
    }
    return
  }
  func.func @transform_0(%arg0: i32) -> (i32, i32) {
    %c0_i32 = arith.constant 0 : i32
    %c0_i32_0 = arith.constant 0 : i32
    return %arg0, %c0_i32 : i32, i32
  }
  func.func @transform_1(%arg0: i32) -> (i32, i32) {
    %c0_i32 = arith.constant 0 : i32
    %c0_i32_0 = arith.constant 0 : i32
    %c0_i32_1 = arith.constant 0 : i32
    return %c0_i32, %c0_i32_0 : i32, i32
  }
  func.func @transform_2(%arg0: i32) -> (i32, i32) {
    %c0_i32 = arith.constant 0 : i32
    %c0_i32_0 = arith.constant 0 : i32
    %c0_i32_1 = arith.constant 0 : i32
    return %c0_i32, %c0_i32_0 : i32, i32
  }
  func.func @transform_3(%arg0: i32) -> (i32, i32) {
    %c0_i32 = arith.constant 0 : i32
    %c0_i32_0 = arith.constant 0 : i32
    %c0_i32_1 = arith.constant 0 : i32
    return %c0_i32, %c0_i32_0 : i32, i32
  }
  func.func @transform_4(%arg0: i32) -> (i32, i32) {
    %c0_i32 = arith.constant 0 : i32
    %c0_i32_0 = arith.constant 0 : i32
    return %arg0, %c0_i32 : i32, i32
  }
  func.func @transform_5(%arg0: i32) -> (i32, i32) {
    %c0_i32 = arith.constant 0 : i32
    %c0_i32_0 = arith.constant 0 : i32
    %c0_i32_1 = arith.constant 0 : i32
    return %c0_i32, %c0_i32_0 : i32, i32
  }
  func.func @transform_6(%arg0: i32) -> (i32, i32) {
    %c0_i32 = arith.constant 0 : i32
    %c0_i32_0 = arith.constant 0 : i32
    %c0_i32_1 = arith.constant 0 : i32
    return %c0_i32, %c0_i32_0 : i32, i32
  }
  func.func @transform_7(%arg0: i32) -> (i32, i32) {
    %c0_i32 = arith.constant 0 : i32
    %c0_i32_0 = arith.constant 0 : i32
    return %arg0, %c0_i32 : i32, i32
  }
  func.func @transform_8(%arg0: i32) -> (i32, i32) {
    %c0_i32 = arith.constant 0 : i32
    %c0_i32_0 = arith.constant 0 : i32
    return %arg0, %c0_i32 : i32, i32
  }
  func.func @transform_9(%arg0: i32) -> i32 {
    %c0_i32 = arith.constant 0 : i32
    return %arg0 : i32
  }
  func.func @transform_10(%arg0: i32) -> i32 {
    %c0_i32 = arith.constant 0 : i32
    return %arg0 : i32
  }
  func.func @transform_11(%arg0: i32) -> i32 {
    %c0_i32 = arith.constant 0 : i32
    %c0_i32_0 = arith.constant 0 : i32
    return %c0_i32 : i32
  }
  func.func @transform_12(%arg0: i32) -> i32 {
    %c0_i32 = arith.constant 0 : i32
    %c0_i32_0 = arith.constant 0 : i32
    return %c0_i32 : i32
  }
  func.func @transform_13(%arg0: i32) -> i32 {
    %c0_i32 = arith.constant 0 : i32
    %c0_i32_0 = arith.constant 0 : i32
    return %c0_i32 : i32
  }
}

module attributes {stable_mosaic.version = 14 : i64} {
  func.func @_gffn_body(%arg0: i32, %arg1: memref<40xi32, #tpu.memory_space<smem>>, %arg2: memref<128x1024xf32, #tpu.memory_space<vmem>>, %arg3: memref<1x1024x1024xf32, #tpu.memory_space<vmem>>, %arg4: memref<1x1024x1024xf32, #tpu.memory_space<vmem>>, %arg5: memref<1x1024x1024xf32, #tpu.memory_space<vmem>>, %arg6: memref<128x1024xf32, #tpu.memory_space<vmem>>) attributes {dimension_semantics = [#tpu.dimension_semantics<arbitrary>], iteration_bounds = array<i64: 40>, scalar_prefetch = 1 : i64, scratch_operands = 0 : i64, tpu.core_type = #tpu.core_type<tc>, window_params = [{transform_indices = @transform_0, window_bounds = array<i64: 128, 1024>}, {transform_indices = @transform_1, window_bounds = array<i64: 1, 1024, 1024>}, {transform_indices = @transform_2, window_bounds = array<i64: 1, 1024, 1024>}, {transform_indices = @transform_3, window_bounds = array<i64: 1, 1024, 1024>}, {transform_indices = @transform_4, window_bounds = array<i64: 128, 1024>}]} {
    %get3A = arith.index_cast %arg0 : i32 to index
    %get3A_0 = memref.load %arg1[%get3A] : memref<40xi32, #tpu.memory_space<smem>>
    %ge3A = arith.constant 0 : i32
    %ge3A_1 = arith.cmpi sge, %get3A_0, %ge3A : i32
    %convert_element_type3A = arith.extui %ge3A_1 : i1 to i32
    %cond3A = arith.constant 0 : i32
    %cond3A_2 = arith.cmpi ne, %convert_element_type3A, %cond3A : i32
    scf.if %cond3A_2 {
      %get3A_3 = arith.constant 0 : index
      %get3A_4 = arith.constant 0 : index
      %get3A_5 = vector.load %arg2[%get3A_3, %get3A_4] : memref<128x1024xf32, #tpu.memory_space<vmem>>, vector<128x1024xf32>
      %convert_element_type3A_6 = arith.truncf %get3A_5 : vector<128x1024xf32> to vector<128x1024xbf16>
      %get3A_7 = arith.constant 0 : index
      %get3A_8 = arith.constant 0 : index
      %get3A_9 = arith.constant 0 : index
      %get3A_10 = vector.load %arg3[%get3A_7, %get3A_8, %get3A_9] : memref<1x1024x1024xf32, #tpu.memory_space<vmem>>, vector<1x1024x1024xf32>
      %get3A_11 = vector.shape_cast %get3A_10 : vector<1x1024x1024xf32> to vector<1024x1024xf32>
      %convert_element_type3A_12 = arith.truncf %get3A_11 : vector<1024x1024xf32> to vector<1024x1024xbf16>
      %dot_general3A = arith.constant dense<0.000000e+00> : vector<128x1024xf32>
      %dot_general3A_13 = tpu.matmul %convert_element_type3A_6, %convert_element_type3A_12, %dot_general3A {dimension_numbers = #tpu.dot_dimension_numbers<[1], [0], [0], [1], [0, 0, 1, 1], [], []>, transpose_lhs_hint = false} : vector<128x1024xbf16>, vector<1024x1024xbf16>, vector<128x1024xf32> -> vector<128x1024xf32>
      %get3A_14 = arith.constant 0 : index
      %get3A_15 = arith.constant 0 : index
      %get3A_16 = arith.constant 0 : index
      %get3A_17 = vector.load %arg4[%get3A_14, %get3A_15, %get3A_16] : memref<1x1024x1024xf32, #tpu.memory_space<vmem>>, vector<1x1024x1024xf32>
      %get3A_18 = vector.shape_cast %get3A_17 : vector<1x1024x1024xf32> to vector<1024x1024xf32>
      %convert_element_type3A_19 = arith.truncf %get3A_18 : vector<1024x1024xf32> to vector<1024x1024xbf16>
      %dot_general3A_20 = arith.constant dense<0.000000e+00> : vector<128x1024xf32>
      %dot_general3A_21 = tpu.matmul %convert_element_type3A_6, %convert_element_type3A_19, %dot_general3A_20 {dimension_numbers = #tpu.dot_dimension_numbers<[1], [0], [0], [1], [0, 0, 1, 1], [], []>, transpose_lhs_hint = false} : vector<128x1024xbf16>, vector<1024x1024xbf16>, vector<128x1024xf32> -> vector<128x1024xf32>
      %logistic3A = arith.negf %dot_general3A_13 : vector<128x1024xf32>
      %logistic3A_22 = math.exp %logistic3A : vector<128x1024xf32>
      %logistic3A_23 = arith.constant 1.000000e+00 : f32
      %logistic3A_24 = vector.broadcast %logistic3A_23 : f32 to vector<128x1024xf32>
      %logistic3A_25 = arith.addf %logistic3A_24, %logistic3A_22 : vector<128x1024xf32>
      %logistic3A_26 = arith.divf %logistic3A_24, %logistic3A_25 : vector<128x1024xf32>
      %mul3A = arith.mulf %dot_general3A_13, %logistic3A_26 : vector<128x1024xf32>
      %mul3A_27 = arith.mulf %mul3A, %dot_general3A_21 : vector<128x1024xf32>
      %convert_element_type3A_28 = arith.truncf %mul3A_27 : vector<128x1024xf32> to vector<128x1024xbf16>
      %get3A_29 = arith.constant 0 : index
      %get3A_30 = arith.constant 0 : index
      %get3A_31 = arith.constant 0 : index
      %get3A_32 = vector.load %arg5[%get3A_29, %get3A_30, %get3A_31] : memref<1x1024x1024xf32, #tpu.memory_space<vmem>>, vector<1x1024x1024xf32>
      %get3A_33 = vector.shape_cast %get3A_32 : vector<1x1024x1024xf32> to vector<1024x1024xf32>
      %convert_element_type3A_34 = arith.truncf %get3A_33 : vector<1024x1024xf32> to vector<1024x1024xbf16>
      %dot_general3A_35 = arith.constant dense<0.000000e+00> : vector<128x1024xf32>
      %dot_general3A_36 = tpu.matmul %convert_element_type3A_28, %convert_element_type3A_34, %dot_general3A_35 {dimension_numbers = #tpu.dot_dimension_numbers<[1], [0], [0], [1], [0, 0, 1, 1], [], []>, transpose_lhs_hint = false} : vector<128x1024xbf16>, vector<1024x1024xbf16>, vector<128x1024xf32> -> vector<128x1024xf32>
      %swap3A = arith.constant 0 : index
      %swap3A_37 = arith.constant 0 : index
      %swap3A_38 = vector.load %arg6[%swap3A, %swap3A_37] : memref<128x1024xf32, #tpu.memory_space<vmem>>, vector<128x1024xf32>
      tpu.vector_store %arg6[%swap3A, %swap3A_37], %dot_general3A_36 {strides = array<i32>} : memref<128x1024xf32, #tpu.memory_space<vmem>>, vector<128x1024xf32>,
    } else {
    }
    return
  }
  func.func @transform_0(%arg0: i32, %arg1: memref<40xi32, #tpu.memory_space<smem>>) -> (i32, i32) {
    %c0_i32 = arith.constant 0 : i32
    %c0_i32_0 = arith.constant 0 : i32
    return %arg0, %c0_i32 : i32, i32
  }
  func.func @transform_1(%arg0: i32, %arg1: memref<40xi32, #tpu.memory_space<smem>>) -> (i32, i32, i32) {
    %get3A = arith.index_cast %arg0 : i32 to index
    %get3A_0 = memref.load %arg1[%get3A] : memref<40xi32, #tpu.memory_space<smem>>
    %max3A = arith.constant 0 : i32
    %max3A_1 = arith.maxsi %get3A_0, %max3A : i32
    %c0_i32 = arith.constant 0 : i32
    %c0_i32_2 = arith.constant 0 : i32
    %c0_i32_3 = arith.constant 0 : i32
    return %max3A_1, %c0_i32, %c0_i32_2 : i32, i32, i32
  }
  func.func @transform_2(%arg0: i32, %arg1: memref<40xi32, #tpu.memory_space<smem>>) -> (i32, i32, i32) {
    %get3A = arith.index_cast %arg0 : i32 to index
    %get3A_0 = memref.load %arg1[%get3A] : memref<40xi32, #tpu.memory_space<smem>>
    %max3A = arith.constant 0 : i32
    %max3A_1 = arith.maxsi %get3A_0, %max3A : i32
    %c0_i32 = arith.constant 0 : i32
    %c0_i32_2 = arith.constant 0 : i32
    %c0_i32_3 = arith.constant 0 : i32
    return %max3A_1, %c0_i32, %c0_i32_2 : i32, i32, i32
  }
  func.func @transform_3(%arg0: i32, %arg1: memref<40xi32, #tpu.memory_space<smem>>) -> (i32, i32, i32) {
    %get3A = arith.index_cast %arg0 : i32 to index
    %get3A_0 = memref.load %arg1[%get3A] : memref<40xi32, #tpu.memory_space<smem>>
    %max3A = arith.constant 0 : i32
    %max3A_1 = arith.maxsi %get3A_0, %max3A : i32
    %c0_i32 = arith.constant 0 : i32
    %c0_i32_2 = arith.constant 0 : i32
    %c0_i32_3 = arith.constant 0 : i32
    return %max3A_1, %c0_i32, %c0_i32_2 : i32, i32, i32
  }
  func.func @transform_4(%arg0: i32, %arg1: memref<40xi32, #tpu.memory_space<smem>>) -> (i32, i32) {
    %c0_i32 = arith.constant 0 : i32
    %c0_i32_0 = arith.constant 0 : i32
    return %arg0, %c0_i32 : i32, i32
  }
}

module attributes {stable_mosaic.version = 14 : i64} {
  func.func @_final_body(%arg0: i32, %arg1: memref<256x1024xf32, #tpu.memory_space<vmem>>, %arg2: memref<256x1024xf32, #tpu.memory_space<vmem>>, %arg3: memref<256x1024xf32, #tpu.memory_space<vmem>>, %arg4: memref<256xf32, #tpu.memory_space<vmem>>, %arg5: memref<256xf32, #tpu.memory_space<vmem>>, %arg6: memref<256x1024xf32, #tpu.memory_space<vmem>>) attributes {dimension_semantics = [#tpu.dimension_semantics<arbitrary>], iteration_bounds = array<i64: 8>, scalar_prefetch = 0 : i64, scratch_operands = 0 : i64, tpu.core_type = #tpu.core_type<tc>, window_params = [{transform_indices = @transform_0, window_bounds = array<i64: 256, 1024>}, {transform_indices = @transform_1, window_bounds = array<i64: 256, 1024>}, {transform_indices = @transform_2, window_bounds = array<i64: 256, 1024>}, {transform_indices = @transform_3, window_bounds = array<i64: 256>}, {transform_indices = @transform_4, window_bounds = array<i64: 256>}, {transform_indices = @transform_5, window_bounds = array<i64: 256, 1024>}]} {
    %get3A = arith.constant 0 : index
    %get3A_0 = vector.load %arg4[%get3A] : memref<256xf32, #tpu.memory_space<vmem>>, vector<256xf32>
    %reshape3A = vector.shape_cast %get3A_0 : vector<256xf32> to vector<256x1xf32>
    %get3A_1 = arith.constant 0 : index
    %get3A_2 = vector.load %arg5[%get3A_1] : memref<256xf32, #tpu.memory_space<vmem>>, vector<256xf32>
    %reshape3A_3 = vector.shape_cast %get3A_2 : vector<256xf32> to vector<256x1xf32>
    %get3A_4 = arith.constant 0 : index
    %get3A_5 = arith.constant 0 : index
    %get3A_6 = vector.load %arg1[%get3A_4, %get3A_5] : memref<256x1024xf32, #tpu.memory_space<vmem>>, vector<256x1024xf32>
    %get3A_7 = arith.constant 0 : index
    %get3A_8 = arith.constant 0 : index
    %get3A_9 = vector.load %arg2[%get3A_7, %get3A_8] : memref<256x1024xf32, #tpu.memory_space<vmem>>, vector<256x1024xf32>
    %mul3A = vector.broadcast %reshape3A : vector<256x1xf32> to vector<256x1024xf32>
    %mul3A_10 = arith.mulf %mul3A, %get3A_9 : vector<256x1024xf32>
    %add3A = arith.addf %get3A_6, %mul3A_10 : vector<256x1024xf32>
    %get3A_11 = arith.constant 0 : index
    %get3A_12 = arith.constant 0 : index
    %get3A_13 = vector.load %arg3[%get3A_11, %get3A_12] : memref<256x1024xf32, #tpu.memory_space<vmem>>, vector<256x1024xf32>
    %mul3A_14 = vector.broadcast %reshape3A_3 : vector<256x1xf32> to vector<256x1024xf32>
    %mul3A_15 = arith.mulf %mul3A_14, %get3A_13 : vector<256x1024xf32>
    %add3A_16 = arith.addf %add3A, %mul3A_15 : vector<256x1024xf32>
    %swap3A = arith.constant 0 : index
    %swap3A_17 = arith.constant 0 : index
    %swap3A_18 = vector.load %arg6[%swap3A, %swap3A_17] : memref<256x1024xf32, #tpu.memory_space<vmem>>, vector<256x1024xf32>
    tpu.vector_store %arg6[%swap3A, %swap3A_17], %add3A_16 {strides = array<i32>} : memref<256x1024xf32, #tpu.memory_space<vmem>>, vector<256x1024xf32>,
    return
  }
  func.func @transform_0(%arg0: i32) -> (i32, i32) {
    %c0_i32 = arith.constant 0 : i32
    %c0_i32_0 = arith.constant 0 : i32
    return %arg0, %c0_i32 : i32, i32
  }
  func.func @transform_1(%arg0: i32) -> (i32, i32) {
    %c0_i32 = arith.constant 0 : i32
    %c0_i32_0 = arith.constant 0 : i32
    return %arg0, %c0_i32 : i32, i32
  }
  func.func @transform_2(%arg0: i32) -> (i32, i32) {
    %c0_i32 = arith.constant 0 : i32
    %c0_i32_0 = arith.constant 0 : i32
    return %arg0, %c0_i32 : i32, i32
  }
  func.func @transform_3(%arg0: i32) -> i32 {
    %c0_i32 = arith.constant 0 : i32
    return %arg0 : i32
  }
  func.func @transform_4(%arg0: i32) -> i32 {
    %c0_i32 = arith.constant 0 : i32
    return %arg0 : i32
  }
  func.func @transform_5(%arg0: i32) -> (i32, i32) {
    %c0_i32 = arith.constant 0 : i32
    %c0_i32_0 = arith.constant 0 : i32
    return %arg0, %c0_i32 : i32, i32
  }
}

</mosaic_0001>

<sc_bundles>
// kernel: kernel.11.cloned.1.call-start
scs
__scs_entry_jumppad:
0x0: {  	(pc) =	sbr.rel $0x88, $3  }
0x1: {  	(tag) =	ssettag $0x0;
	lr =	simm.s32 $0x1  }
0x2: {  	[smem:$0x3F92] =	sst lr;
	_ =	strace $0xD0000000  }
0x3: {  	_ = 	snop  }
0x4: {  	_ = 	snop  }
0x5: {  	_ = 	snop  }
0x6: {  	_ = 	snop  }
0x7: {  	_ = 	snop  }
__scs_overlays_trampoline_lowered:
0x8: {  	[smem:$0x3FA1] =	sst s0  }
0x9: {  	[smem:$0x3FA2] =	sst s1  }
0xa: {  	[smem:$0x3FA3] =	sst s2  }
0xb: {  	[smem:$0x3FA4] =	sst s3  }
0xc: {  	[smem:$0x3FA5] =	sst s4  }
0xd: {  	[smem:$0x3FA6] =	sst s5  }
0xe: {  	[smem:$0x3FA7] =	sst s6  }
0xf: {  	[smem:$0x3FA8] =	sst s7  }
0x10: {  	[smem:$0x3FA9] =	sst s8  }
0x11: {  	[smem:$0x3FAA] =	sst s9;
	s0 =	simm.s32 @!p0 $0x0  }
0x12: {  	s1 =	sld [smem:$0x3F90];
	s0 =	simm.s32 @p0 $0x1  }
0x13: {  	[smem:$0x3FAB] =	sst s0;
	s0 =	simm.s32 @!p1 $0x0  }
0x14: {  	s2 =	sld [smem:$0x3F8F];
	s0 =	simm.s32 @p1 $0x1  }
0x15: {  	[smem:$0x3FAC] =	sst s0;
	s0 =	simm.s32 @!p2 $0x0  }
0x16: {  	s3 =	sld [smem:$0x3FDB];
	s0 =	simm.s32 @p2 $0x1  }
0x17: {  	s4 =	simm.s32 $0x1BF5;
	[smem:$0x3FAE] =	sst s0  }
0x18: {  	s0 =	sld [smem:$0x3F91];
	_ =	swait.ge [sflag:s4], $0x0  }
0x19: {  	s7 =	sld [smem:$0x3F92]  }
0x1a: {  	s8 =	sadd.s32 $0xFFFFE003, lr  }
0x1b: {  	s9 =	sadd.s32 $0xFFFFFEF7, lr;
	s5 =	simm.s32 $0xFFFFFFFF;
	p2 =	slt.u32 s8, $0xFFFFF086  }
0x1c: {  	p1 =	slt.u32 s9, $0xF7A;
	s5 =	simm.s32 @!p2 $0x0  }
0x1d: {  	s5 =	simm.s32 @p1 $0x1;
	p0 =	seq.s32 s7, s2  }
0x1e: {  	s7 =	smul.u32 @!p0 $0xF7A, s2;
	p2 =	seq.s32 @!p0 s5, $0x0  }
0x1f: {  	s9 =	smul.u32 $0xF7A, s1;
	s8 =	simm.s32 @!p0 $0x1BF5;
	p2 =	por !p2, p0  }
0x20: {  	[sflag:s8] =	ssyncset.s32 @!p0 $0xFFFFF086;
	s6 =	sadd.s32 @!p0 s3, s7;
	s7 =	simm.s32 @!p0 $0x108  }
0x21: {  	s3 =	sadd.s32 s3, s9;
	s6 =	sadd.s32 @!p0 $0x88, s6;
	s7 =	simm.s32 @p2 $0x1082  }
0x22: {  	[simem:s7], [sflag:s8] =	dma.local @!p0 [hbm:s6], $0xF7A  }
0x23: {  	s9 =	sor.u32 $0xD0000000, s2;
	s6 =	simm.s32 $0x108;
	_ =	swait.ge @!p0 [sflag:s8], $0x0  }
0x24: {  	s3 =	sadd.s32 $0x88, s3;
	s6 =	simm.s32 @!p1 $0x1082;
	[sflag:s4] =	ssyncset.s32 $0xFFFFF086  }
0x25: {  	[simem:s6], [sflag:s4] =	dma.local [hbm:s3], $0xF7A  }
0x26: {  	[smem:$0x3F92] =	sst s1;
	(tag) =	ssettag s2;
	_ =	strace s9  }
0x27: {  	s1 =	sld [smem:$0x3FA2]  }
0x28: {  	s2 =	sld [smem:$0x3FA3]  }
0x29: {  	s4 =	sld [smem:$0x3FA5]  }
0x2a: {  	p0 =	seq.s32 s5, $0x0;
	s5 =	sld [smem:$0x3FA6]  }
0x2b: {  	s6 =	sld [smem:$0x3FA7]  }
0x2c: {  	s7 =	sld [smem:$0x3FA8]  }
0x2d: {  	s3 =	simm.s32 $0x108;
	s8 =	sld [smem:$0x3FA9]  }
0x2e: {  	s3 =	simm.s32 @!p0 $0x1082;
	s9 =	sld [smem:$0x3FAA]  }
0x2f: {  	lr =	sadd.s32 s0, s3;
	s0 =	sld [smem:$0x3FA1]  }
0x30: {  	s3 =	sld [smem:$0x3FA4]  }
0x31: {  	[smem:$0x3FAD] =	sst s10  }
0x32: {  	s10 =	sld [smem:$0x3FAB];
	_ =	sdelay $0x3  }
0x33: {  	p0 =	seq.s32 s10, $0x1;
	s10 =	sld [smem:$0x3FAD];
	_ =	sdelay $0x3  }
0x34: {  	[smem:$0x3FAD] =	sst s10  }
0x35: {  	s10 =	sld [smem:$0x3FAC];
	_ =	sdelay $0x3  }
0x36: {  	p1 =	seq.s32 s10, $0x1;
	s10 =	sld [smem:$0x3FAD];
	_ =	sdelay $0x3  }
0x37: {  	[smem:$0x3FAD] =	sst s10  }
0x38: {  	s10 =	sld [smem:$0x3FAE]  }
0x39: {  	_ = 	snop;
	(pc) =	sbr.ind lr, $3  }
0x3a: {  	_ = 	snop  }
0x3b: {  	_ = 	snop  }
0x3c: {  	p2 =	seq.s32 s10, $0x1;
	s10 =	sld [smem:$0x3FAD]  }
0x3d: {  	_ =	shalt  }
0x3e: {  	_ =	shalt  }
0x3f: {  	_ =	shalt  }
0x40: {  	_ =	shalt  }
0x41: {  	_ =	shalt  }
0x42: {  	_ =	shalt  }
0x43: {  	_ =	shalt  }
0x44: {  	_ =	shalt  }
0x45: {  	_ =	shalt  }
0x46: {  	_ =	shalt  }
0x47: {  	_ =	shalt  }
0x48: {  	_ =	shalt  }
0x49: {  	_ =	shalt  }
0x4a: {  	_ =	shalt  }
0x4b: {  	_ =	shalt  }
0x4c: {  	_ =	shalt  }
0x4d: {  	_ =	shalt  }
0x4e: {  	_ =	shalt  }
0x4f: {  	_ =	shalt  }
0x50: {  	_ =	shalt  }
0x51: {  	_ =	shalt  }
0x52: {  	_ =	shalt  }
0x53: {  	_ =	shalt  }
0x54: {  	_ =	shalt  }
0x55: {  	_ =	shalt  }
0x56: {  	_ =	shalt  }
0x57: {  	_ =	shalt  }
0x58: {  	_ =	shalt  }
0x59: {  	_ =	shalt  }
0x5a: {  	_ =	shalt  }
0x5b: {  	_ =	shalt  }
0x5c: {  	_ =	shalt  }
0x5d: {  	_ =	shalt  }
0x5e: {  	_ =	shalt  }
0x5f: {  	_ =	shalt  }
0x60: {  	_ =	shalt  }
0x61: {  	_ =	shalt  }
0x62: {  	_ =	shalt  }
0x63: {  	_ =	shalt  }
0x64: {  	_ =	shalt  }
0x65: {  	_ =	shalt  }
0x66: {  	_ =	shalt  }
0x67: {  	_ =	shalt  }
0x68: {  	_ =	shalt  }
0x69: {  	_ =	shalt  }
0x6a: {  	_ =	shalt  }
0x6b: {  	_ =	shalt  }
0x6c: {  	_ =	shalt  }
0x6d: {  	_ =	shalt  }
0x6e: {  	_ =	shalt  }
0x6f: {  	_ =	shalt  }
0x70: {  	_ =	shalt  }
0x71: {  	_ =	shalt  }
0x72: {  	_ =	shalt  }
0x73: {  	_ =	shalt  }
0x74: {  	_ =	shalt  }
0x75: {  	_ =	shalt  }
0x76: {  	_ =	shalt  }
0x77: {  	_ =	shalt  }
0x78: {  	_ =	shalt  }
0x79: {  	_ =	shalt  }
0x7a: {  	_ =	shalt  }
0x7b: {  	_ =	shalt  }
0x7c: {  	_ =	shalt  }
0x7d: {  	_ =	shalt  }
0x7e: {  	_ =	shalt  }
0x7f: {  	_ =	shalt  }
0x80: {  	_ =	shalt  }
0x81: {  	_ =	shalt  }
0x82: {  	_ =	shalt  }
0x83: {  	_ =	shalt  }
0x84: {  	_ =	shalt  }
0x85: {  	_ =	shalt  }
0x86: {  	_ =	shalt  }
0x87: {  	_ =	shalt  }
.Lfunc_end0:
.L_simem_size_0:
called_computation.1_lowered:
.L_overlay_start_0:
0x88: {  	s2 =	sld [smem:$0x3FD9]  }
0x89: {  	s3 =	sld [smem:$0x3FFE];
	_ =	sdelay $0x1  }
0x8a: {  	s1 =	srdreg.scid  }
0x8b: {  	s0 =	sand.u32 $0x1, s1  }
0x8c: {  	s16 =	sshll.u32 s0, $0xA;
	s2 =	sadd.s32 s3, s2  }
0x8d: {  	s2 =	sadd.s32 s2, s16  }
0x8e: {  	[smem:$0x3FB9] =	sst s2  }
0x8f: {  	_ = 	snop  }
0x90: {  	(tm) =	ssettm $0x1  }
0x91: {  	s17 =	sld [smem:$0x3FFB];
	_ =	sdelay $0x3  }
0x92: {  	_ =	strace s17  }
0x93: {  	s2 =	sld [smem:$0x3FFC];
	_ =	sdelay $0x3  }
0x94: {  	_ =	strace s2  }
0x95: {  	s2 =	sld [smem:$0x3FFD];
	_ =	sdelay $0x3  }
0x96: {  	_ =	strace s2  }
0x97: {  	_ =	strace $0x8FFFFFFF  }
0x98: {  	s18 =	sld [smem:$0x3FDB];
	_ =	sdelay $0x1  }
0x99: {  	s19 =	simm.s32 $_scs_section_size  }
0x9a: {  	s4 =	simm.s32 $_size__tile_overlayer_lowered;
	s5 =	simm.s32 $_tile_overlayer_lowered  }
0x9b: {  	s22 =	simm.s32 $0x1BFF;
	s21 =	sshll.u32 s5, $0x1;
	s2 =	sadd.s32 s19, s18  }
0x9c: {  	s6 =	simm.s32 $0x0;
	s20 =	sshll.u32 s4, $0x1;
	s4 =	sadd.s32 s21, s2  }
0x9d: {  	[timem:s6], [sflag:s22] =	dma.local [hbm:s4], s20  }
0x9e: {  	_ =	swait.ge [sflag:s22], s20  }
0x9f: {  	s3 =	ssub.s32 $0x0, s20;
	[sflag:s22] =	ssyncset.done $0x0  }
0xa0: {  	[sflag:s22] =	ssyncadd.s32 s3;
	_ =	sdelay $0x1  }
0xa1: {  	s23 =	simm.s32 $0x1B8B  }
0xa2: {  	_ =	swait.ge [sflag:s23], $0x1  }
0xa3: {  	[sflag:s23] =	ssyncset.done $0x0  }
0xa4: {  	s25 =	simm.s32 $0x1B8E;
	s24 =	sld [smem:$0x3FFE];
	[sflag:s23] =	ssyncadd.s32 $0xFFFFFFFF  }
0xa5: {  	s26 =	simm.s32 $execute0_lowered;
	[smem:$0x3FD2] =	sst s25  }
0xa6: {  	s4 =	sshll.u32 s26, $0x1;
	_ =	strace $0x80000049;
	[dreg:$0x1] =	wrdreg $0xFFFFFFFF  }
0xa7: {  	s28 =	simm.s32 $_size_execute0_lowered;
	s2 =	sadd.s32 s2, s4;
	[dreg:$0x0] =	wrdreg $0x0  }
0xa8: {  	s4 =	sshll.u32 s28, $0x1;
	[dreg:$0x2] =	wrdreg s2  }
0xa9: {  	[dreg:$0x3] =	wrdreg s4  }
0xaa: {  	[dreg:$0x4] =	wrdreg $0xC0  }
0xab: {  	_ =	task [dreg:s6], $0x5FFFF  }
0xac: {  	[dreg:$0x1] =	wrdreg $0xFFFFFFFF  }
0xad: {  	[dreg:$0x0] =	wrdreg $0x60  }
0xae: {  	[dreg:$0x2] =	wrdreg s24  }
0xaf: {  	[dreg:$0x3] =	wrdreg $0x9  }
0xb0: {  	_ =	task.clear_ibuf [dreg:s6], $0x4FFFF;
	_ =	strace $0x90000049  }
0xb1: {  	s29 =	simm.s32 $0x9;
	_ =	strace $0x8000004B  }
0xb2: {  	_ =	swait.ge [sflag:s29], $0x1  }
0xb3: {  	[sflag:s29] =	ssyncadd.s32 $0xFFFFFFFF  }
0xb4: {  	_ =	strace $0x9000004B  }
0xb5: {  	_ =	sfence  }
0xb6: {  	s30 =	sld [smem:$0x0];
	_ =	sdelay $0x2  }
0xb7: {  	s31 =	sshll.u32 s1, $0xD;
	s1 =	sshrl.u32 s1, $0x2  }
0xb8: {  	s3 =	sand.u32 $0x4000, s31;
	s1 =	sadd.s32 s1, s30  }
0xb9: {  	s0 =	sor.u32 s3, s0;
	s1 =	sshll.u32 s1, $0x11  }
0xba: {  	s0 =	sor.u32 s1, s0  }
0xbb: {  	s0 =	sadd.s32 $0x8F2B, s0  }
0xbc: {  	[sflag:s0] =	ssyncadd.remote.s32 $0x1  }
0xbd: {  	_ =	sfence.sel $0xFFFF  }
0xbe: {  	[dreg:$0x0] =	wrdreg $0xFFFFFFFF;
	(pc) =	sbr.abs _section_cstart, $3  }
0xbf: {  	[dreg:$0x1] =	wrdreg $0xFFFFFFFF  }
0xc0: {  	_ =	task.clear_ibuf [dreg:s6], $0x2FFFF;
	_ =	strace $0x9FFFFFFF  }
0xc1: {  	(tm) =	ssettm $0x7FFFFFFF  }
tec
execute0_lowered:
.L_overlay_start_1:
0x0: {  	(tag) =	ssettag $0x1  }
0x1: {  	s0 =	srdreg.scid  }
0x2: {  	s2 =	stileid.u32;
	s1 =	rddreg [dreg:$0x0];
	s8 =	simm.s32 $0x3  }
0x3: {  	s9 =	simm.s32 $0x1;
	s19 =	simm.s32 $0x2;
	s21 =	simm.s32 $0x880  }
0x4: {  	s22 =	simm.s32 $0x1080;
	s23 =	simm.s32 $0x1880;
	s28 =	simm.s32 $0x3080  }
0x5: {  	s29 =	simm.s32 $0x3880;
	s30 =	simm.s32 $0x4080;
	s31 =	simm.s32 $0x4880  }
0x6: {  	s10 =	simm.s32 $0x6080;
	s11 =	simm.s32 $0x6880;
	s12 =	simm.s32 $0x7080  }
0x7: {  	s13 =	simm.s32 $0x7880;
	s18 =	simm.s32 $0x8080;
	s14 =	simm.s32 $0x8880  }
0x8: {  	s15 =	simm.s32 $0x9080;
	s16 =	simm.s32 $0x9880;
	s0 =	sand.u32 $0x1, s0  }
0x9: {  	s3 =	sshll.u32 s2, $0x8;
	s2 =	simm.s32 $0x0;
	s4 =	sshll.u32 s0, $0x7  }
0xa: {  	s17 =	simm.s32 $0xA080;
	[smem:$0x7FF] =	sst s2;
	s3 =	sor.u32 s4, s3  }
0xb: {  	s0 =	ssub.s32 $0x2, s0;
	_ =	strace $0x8000004A;
	s4 =	sshrl.u32 s3, $0x3  }
0xc: {  	s6 =	sshrl.u32 s0, $0x1;
	s5 =	sshll.u32 s3, $0x7;
	s4 =	sadd.s32 s4, s1  }
0xd: {  	s3 =	sadd.s32 $0x2800, s1;
	s5 =	sadd.s32 s5, s1;
	s4 =	sadd.s32 $0x2600, s4  }
0xe: {  	s0 =	ssub.s32 s0, s6;
	s24 =	sadd.s32 $0xA2800, s5;
	[dreg:$0x2] =	wrdreg s4  }
0xf: {  	s6 =	sadd.s32 $0x2B00, s1;
	s25 =	sadd.s32 $0xA3800, s5;
	[dreg:$0x3] =	wrdreg s24  }
0x10: {  	s26 =	sadd.s32 $0xA4800, s5;
	s7 =	sadd.s32 $0xA5800, s5;
	[dreg:$0x4] =	wrdreg s25  }
0x11: {  	v2 =	vlaneseq.u32;
	s5 =	sadd.s32 $0x2A00, s1;
	s4 =	sadd.s32 $0x2900, s1;
	[dreg:$0x5] =	wrdreg s26  }
0x12: {  	vm0 =	vmmov $0xffff;
	v1 =	vshrl.u32 v2, $0x3;
	[dreg:$0x6] =	wrdreg s7;
	s7 =	smax.u32 s0, $0x1;
	s25 =	simm.s32 $0x80  }
0x13: {  	v0 =	vand.u32 $0x7, v2;
	v2 =	vor.u32 $0x8, v2;
	v1 =	vmul.u32 $0x8, v1;
	s24 =	simm.s32 $0x2080;
	s26 =	simm.s32 $0x2880;
	s1 =	simm.s32 $0x5080  }
.LBB2_1:
0x14: {  	s20 =	rddreg [dreg:$0x2]  }
0x15: {  	[tilespmem:s2], [sflag:$0x3] =	stream.linear.gather [hbm4b:s20+s2], $0x80, $0x38;
	[tilespmem:$0x10080] =	vst v63  }
0x16: {  	_ =	swait.ge [sflag:s8], $0x80  }
0x17: {  	[sflag:s8] =	ssyncset.done $0x0  }
0x18: {  	[sflag:s8] =	ssyncadd.s32 $0xFFFFFF80  }
0x19: {  	v3 =	vld [tilespmem:$0x0];
	_ =	sdelay $0x4  }
0x1a: {  	v4 =	vshll.u32 v3, $0x3  }
0x1b: {  	v3 =	vand.u32 $0x7, v3;
	v4 =	vand.u32 $0xFFFFFFC0, v4  }
0x1c: {  	v3 =	vor.u32 v3, v4  }
0x1d: {  	v4 =	vperm.xlane v3, v0;
	_ =	sdelay $0x1  }
0x1e: {  	v4 =	vadd.s32 v1, v4;
	_ =	sdelay $0x4  }
0x1f: {  	[tilespmem:s25], [sflag:$0x1] =	stream.indirect_vreg.gather [hbm4b:s3+s2], $0x80, v4, vm0, $0xb8;
	[tilespmem:$0x10080] =	vst v63  }
0x20: {  	v3 =	vperm.xlane v3, v2  }
0x21: {  	[tilespmem:s21], [sflag:$0x1] =	stream.indirect_vreg.gather [hbm4b:s4+s2], $0x80, v4, vm0, $0xb8;
	[tilespmem:$0x10080] =	vst v63  }
0x22: {  	v3 =	vadd.s32 v1, v3  }
0x23: {  	[tilespmem:s22], [sflag:$0x1] =	stream.indirect_vreg.gather [hbm4b:s5+s2], $0x80, v4, vm0, $0xb8;
	[tilespmem:$0x10080] =	vst v63  }
0x24: {  	_ = 	snop  }
0x25: {  	[tilespmem:s23], [sflag:$0x1] =	stream.indirect_vreg.gather [hbm4b:s6+s2], $0x80, v4, vm0, $0xb8;
	[tilespmem:$0x10080] =	vst v63  }
0x26: {  	_ = 	snop  }
0x27: {  	[tilespmem:s24], [sflag:$0x1] =	stream.indirect_vreg.gather [hbm4b:s3+s2], $0x80, v3, vm0, $0xb8;
	[tilespmem:$0x10080] =	vst v63  }
0x28: {  	_ = 	snop  }
0x29: {  	[tilespmem:s26], [sflag:$0x1] =	stream.indirect_vreg.gather [hbm4b:s4+s2], $0x80, v3, vm0, $0xb8;
	[tilespmem:$0x10080] =	vst v63  }
0x2a: {  	_ = 	snop  }
0x2b: {  	[tilespmem:s28], [sflag:$0x1] =	stream.indirect_vreg.gather [hbm4b:s5+s2], $0x80, v3, vm0, $0xb8;
	[tilespmem:$0x10080] =	vst v63  }
0x2c: {  	_ = 	snop  }
0x2d: {  	[tilespmem:s29], [sflag:$0x1] =	stream.indirect_vreg.gather [hbm4b:s6+s2], $0x80, v3, vm0, $0xb8;
	[tilespmem:$0x10080] =	vst v63  }
0x2e: {  	v3 =	vld [tilespmem:$0x10];
	_ =	sdelay $0x4  }
0x2f: {  	v57 =	vshll.u32 v3, $0x3  }
0x30: {  	v3 =	vand.u32 $0x7, v3;
	v4 =	vand.u32 $0xFFFFFFC0, v57  }
0x31: {  	v3 =	vor.u32 v3, v4  }
0x32: {  	v4 =	vperm.xlane v3, v0;
	_ =	sdelay $0x1  }
0x33: {  	v4 =	vadd.s32 v1, v4;
	_ =	sdelay $0x4  }
0x34: {  	[tilespmem:s30], [sflag:$0x1] =	stream.indirect_vreg.gather [hbm4b:s3+s2], $0x80, v4, vm0, $0xb8;
	[tilespmem:$0x10080] =	vst v63  }
0x35: {  	v3 =	vperm.xlane v3, v2  }
0x36: {  	[tilespmem:s31], [sflag:$0x1] =	stream.indirect_vreg.gather [hbm4b:s4+s2], $0x80, v4, vm0, $0xb8;
	[tilespmem:$0x10080] =	vst v63  }
0x37: {  	v3 =	vadd.s32 v1, v3  }
0x38: {  	[tilespmem:s1], [sflag:$0x1] =	stream.indirect_vreg.gather [hbm4b:s5+s2], $0x80, v4, vm0, $0xb8;
	[tilespmem:$0x10080] =	vst v63  }
0x39: {  	s0 =	simm.s32 $0x5880  }
0x3a: {  	[tilespmem:s0], [sflag:$0x1] =	stream.indirect_vreg.gather [hbm4b:s6+s2], $0x80, v4, vm0, $0xb8;
	[tilespmem:$0x10080] =	vst v63  }
0x3b: {  	_ = 	snop  }
0x3c: {  	[tilespmem:s10], [sflag:$0x1] =	stream.indirect_vreg.gather [hbm4b:s3+s2], $0x80, v3, vm0, $0xb8;
	[tilespmem:$0x10080] =	vst v63  }
0x3d: {  	_ = 	snop  }
0x3e: {  	[tilespmem:s11], [sflag:$0x1] =	stream.indirect_vreg.gather [hbm4b:s4+s2], $0x80, v3, vm0, $0xb8;
	[tilespmem:$0x10080] =	vst v63  }
0x3f: {  	_ = 	snop  }
0x40: {  	[tilespmem:s12], [sflag:$0x1] =	stream.indirect_vreg.gather [hbm4b:s5+s2], $0x80, v3, vm0, $0xb8;
	[tilespmem:$0x10080] =	vst v63  }
0x41: {  	_ = 	snop  }
0x42: {  	[tilespmem:s13], [sflag:$0x1] =	stream.indirect_vreg.gather [hbm4b:s6+s2], $0x80, v3, vm0, $0xb8;
	[tilespmem:$0x10080] =	vst v63  }
0x43: {  	v3 =	vld [tilespmem:$0x20];
	_ =	sdelay $0x4  }
0x44: {  	v58 =	vshll.u32 v3, $0x3  }
0x45: {  	v3 =	vand.u32 $0x7, v3;
	v4 =	vand.u32 $0xFFFFFFC0, v58  }
0x46: {  	v3 =	vor.u32 v3, v4  }
0x47: {  	v4 =	vperm.xlane v3, v0;
	_ =	sdelay $0x1  }
0x48: {  	v4 =	vadd.s32 v1, v4;
	_ =	sdelay $0x4  }
0x49: {  	[tilespmem:s18], [sflag:$0x2] =	stream.indirect_vreg.gather [hbm4b:s3+s2], $0x80, v4, vm0, $0xb8;
	[tilespmem:$0x10080] =	vst v63  }
0x4a: {  	v3 =	vperm.xlane v3, v2  }
0x4b: {  	[tilespmem:s14], [sflag:$0x2] =	stream.indirect_vreg.gather [hbm4b:s4+s2], $0x80, v4, vm0, $0xb8;
	[tilespmem:$0x10080] =	vst v63  }
0x4c: {  	v3 =	vadd.s32 v1, v3  }
0x4d: {  	[tilespmem:s15], [sflag:$0x2] =	stream.indirect_vreg.gather [hbm4b:s5+s2], $0x80, v4, vm0, $0xb8;
	[tilespmem:$0x10080] =	vst v63  }
0x4e: {  	_ = 	snop  }
0x4f: {  	[tilespmem:s16], [sflag:$0x2] =	stream.indirect_vreg.gather [hbm4b:s6+s2], $0x80, v4, vm0, $0xb8;
	[tilespmem:$0x10080] =	vst v63  }
0x50: {  	_ = 	snop  }
0x51: {  	[tilespmem:s17], [sflag:$0x2] =	stream.indirect_vreg.gather [hbm4b:s3+s2], $0x80, v3, vm0, $0xb8;
	[tilespmem:$0x10080] =	vst v63  }
0x52: {  	s20 =	simm.s32 $0xA880  }
0x53: {  	[tilespmem:s20], [sflag:$0x2] =	stream.indirect_vreg.gather [hbm4b:s4+s2], $0x80, v3, vm0, $0xb8;
	[tilespmem:$0x10080] =	vst v63  }
0x54: {  	s20 =	simm.s32 $0xB080  }
0x55: {  	[tilespmem:s20], [sflag:$0x2] =	stream.indirect_vreg.gather [hbm4b:s5+s2], $0x80, v3, vm0, $0xb8;
	[tilespmem:$0x10080] =	vst v63  }
0x56: {  	s20 =	simm.s32 $0xB880  }
0x57: {  	[tilespmem:s20], [sflag:$0x2] =	stream.indirect_vreg.gather [hbm4b:s6+s2], $0x80, v3, vm0, $0xb8;
	[tilespmem:$0x10080] =	vst v63  }
0x58: {  	v3 =	vld [tilespmem:$0x30];
	_ =	sdelay $0x4  }
0x59: {  	v59 =	vshll.u32 v3, $0x3  }
0x5a: {  	v3 =	vand.u32 $0x7, v3;
	v4 =	vand.u32 $0xFFFFFFC0, v59  }
0x5b: {  	v3 =	vor.u32 v3, v4  }
0x5c: {  	v4 =	vperm.xlane v3, v0;
	_ =	sdelay $0x1  }
0x5d: {  	v4 =	vadd.s32 v1, v4;
	_ =	sdelay $0x3  }
0x5e: {  	s20 =	simm.s32 $0xC080  }
0x5f: {  	[tilespmem:s20], [sflag:$0x2] =	stream.indirect_vreg.gather [hbm4b:s3+s2], $0x80, v4, vm0, $0xb8;
	[tilespmem:$0x10080] =	vst v63  }
0x60: {  	v3 =	vperm.xlane v3, v2;
	s20 =	simm.s32 $0xC880  }
0x61: {  	[tilespmem:s20], [sflag:$0x2] =	stream.indirect_vreg.gather [hbm4b:s4+s2], $0x80, v4, vm0, $0xb8;
	[tilespmem:$0x10080] =	vst v63  }
0x62: {  	v3 =	vadd.s32 v1, v3;
	s20 =	simm.s32 $0xD080  }
0x63: {  	[tilespmem:s20], [sflag:$0x2] =	stream.indirect_vreg.gather [hbm4b:s5+s2], $0x80, v4, vm0, $0xb8;
	[tilespmem:$0x10080] =	vst v63  }
0x64: {  	s20 =	simm.s32 $0xD880  }
0x65: {  	[tilespmem:s20], [sflag:$0x2] =	stream.indirect_vreg.gather [hbm4b:s6+s2], $0x80, v4, vm0, $0xb8;
	[tilespmem:$0x10080] =	vst v63  }
0x66: {  	s20 =	simm.s32 $0xE080  }
0x67: {  	[tilespmem:s20], [sflag:$0x2] =	stream.indirect_vreg.gather [hbm4b:s3+s2], $0x80, v3, vm0, $0xb8;
	[tilespmem:$0x10080] =	vst v63  }
0x68: {  	s20 =	simm.s32 $0xE880  }
0x69: {  	[tilespmem:s20], [sflag:$0x2] =	stream.indirect_vreg.gather [hbm4b:s4+s2], $0x80, v3, vm0, $0xb8;
	[tilespmem:$0x10080] =	vst v63  }
0x6a: {  	s20 =	simm.s32 $0xF080  }
0x6b: {  	[tilespmem:s20], [sflag:$0x2] =	stream.indirect_vreg.gather [hbm4b:s5+s2], $0x80, v3, vm0, $0xb8;
	[tilespmem:$0x10080] =	vst v63  }
0x6c: {  	s20 =	simm.s32 $0xF880  }
0x6d: {  	[tilespmem:s20], [sflag:$0x2] =	stream.indirect_vreg.gather [hbm4b:s6+s2], $0x80, v3, vm0, $0xb8;
	[tilespmem:$0x10080] =	vst v63  }
0x6e: {  	_ =	swait.ge [sflag:s9], $0x8000  }
0x6f: {  	[sflag:s9] =	ssyncset.done $0x0  }
0x70: {  	s20 =	rddreg [dreg:$0x3];
	[sflag:s9] =	ssyncadd.s32 $0xFFFF8000  }
0x71: {  	[hbm4b:s20+s2] =	stream.linear.scatter [tilespmem:s25], [sflag:$0x3], $0x8000, $0x38;
	[tilespmem:$0x10080] =	vst v63  }
0x72: {  	_ =	swait.ge [sflag:s8], $0x8000  }
0x73: {  	[sflag:s8] =	ssyncset.done $0x0  }
0x74: {  	[sflag:s8] =	ssyncadd.s32 $0xFFFF8000  }
0x75: {  	v3 =	vld [tilespmem:$0x40];
	_ =	sdelay $0x4  }
0x76: {  	v60 =	vshll.u32 v3, $0x3  }
0x77: {  	v3 =	vand.u32 $0x7, v3;
	v4 =	vand.u32 $0xFFFFFFC0, v60  }
0x78: {  	v3 =	vor.u32 v3, v4  }
0x79: {  	v4 =	vperm.xlane v3, v0;
	_ =	sdelay $0x1  }
0x7a: {  	v4 =	vadd.s32 v1, v4;
	_ =	sdelay $0x4  }
0x7b: {  	[tilespmem:s25], [sflag:$0x1] =	stream.indirect_vreg.gather [hbm4b:s3+s2], $0x80, v4, vm0, $0xb8;
	[tilespmem:$0x10080] =	vst v63  }
0x7c: {  	v3 =	vperm.xlane v3, v2  }
0x7d: {  	[tilespmem:s21], [sflag:$0x1] =	stream.indirect_vreg.gather [hbm4b:s4+s2], $0x80, v4, vm0, $0xb8;
	[tilespmem:$0x10080] =	vst v63  }
0x7e: {  	v3 =	vadd.s32 v1, v3  }
0x7f: {  	[tilespmem:s22], [sflag:$0x1] =	stream.indirect_vreg.gather [hbm4b:s5+s2], $0x80, v4, vm0, $0xb8;
	[tilespmem:$0x10080] =	vst v63  }
0x80: {  	_ = 	snop  }
0x81: {  	[tilespmem:s23], [sflag:$0x1] =	stream.indirect_vreg.gather [hbm4b:s6+s2], $0x80, v4, vm0, $0xb8;
	[tilespmem:$0x10080] =	vst v63  }
0x82: {  	_ = 	snop  }
0x83: {  	[tilespmem:s24], [sflag:$0x1] =	stream.indirect_vreg.gather [hbm4b:s3+s2], $0x80, v3, vm0, $0xb8;
	[tilespmem:$0x10080] =	vst v63  }
0x84: {  	_ = 	snop  }
0x85: {  	[tilespmem:s26], [sflag:$0x1] =	stream.indirect_vreg.gather [hbm4b:s4+s2], $0x80, v3, vm0, $0xb8;
	[tilespmem:$0x10080] =	vst v63  }
0x86: {  	_ = 	snop  }
0x87: {  	[tilespmem:s28], [sflag:$0x1] =	stream.indirect_vreg.gather [hbm4b:s5+s2], $0x80, v3, vm0, $0xb8;
	[tilespmem:$0x10080] =	vst v63  }
0x88: {  	_ = 	snop  }
0x89: {  	[tilespmem:s29], [sflag:$0x1] =	stream.indirect_vreg.gather [hbm4b:s6+s2], $0x80, v3, vm0, $0xb8;
	[tilespmem:$0x10080] =	vst v63  }
0x8a: {  	v3 =	vld [tilespmem:$0x50];
	_ =	sdelay $0x4  }
0x8b: {  	v61 =	vshll.u32 v3, $0x3  }
0x8c: {  	v3 =	vand.u32 $0x7, v3;
	v4 =	vand.u32 $0xFFFFFFC0, v61  }
0x8d: {  	v3 =	vor.u32 v3, v4  }
0x8e: {  	v4 =	vperm.xlane v3, v0;
	_ =	sdelay $0x1  }
0x8f: {  	v4 =	vadd.s32 v1, v4;
	_ =	sdelay $0x4  }
0x90: {  	[tilespmem:s30], [sflag:$0x1] =	stream.indirect_vreg.gather [hbm4b:s3+s2], $0x80, v4, vm0, $0xb8;
	[tilespmem:$0x10080] =	vst v63  }
0x91: {  	v3 =	vperm.xlane v3, v2  }
0x92: {  	[tilespmem:s31], [sflag:$0x1] =	stream.indirect_vreg.gather [hbm4b:s4+s2], $0x80, v4, vm0, $0xb8;
	[tilespmem:$0x10080] =	vst v63  }
0x93: {  	v3 =	vadd.s32 v1, v3  }
0x94: {  	[tilespmem:s1], [sflag:$0x1] =	stream.indirect_vreg.gather [hbm4b:s5+s2], $0x80, v4, vm0, $0xb8;
	[tilespmem:$0x10080] =	vst v63  }
0x95: {  	_ = 	snop  }
0x96: {  	[tilespmem:s0], [sflag:$0x1] =	stream.indirect_vreg.gather [hbm4b:s6+s2], $0x80, v4, vm0, $0xb8;
	[tilespmem:$0x10080] =	vst v63  }
0x97: {  	_ = 	snop  }
0x98: {  	[tilespmem:s10], [sflag:$0x1] =	stream.indirect_vreg.gather [hbm4b:s3+s2], $0x80, v3, vm0, $0xb8;
	[tilespmem:$0x10080] =	vst v63  }
0x99: {  	_ = 	snop  }
0x9a: {  	[tilespmem:s11], [sflag:$0x1] =	stream.indirect_vreg.gather [hbm4b:s4+s2], $0x80, v3, vm0, $0xb8;
	[tilespmem:$0x10080] =	vst v63  }
0x9b: {  	_ = 	snop  }
0x9c: {  	[tilespmem:s12], [sflag:$0x1] =	stream.indirect_vreg.gather [hbm4b:s5+s2], $0x80, v3, vm0, $0xb8;
	[tilespmem:$0x10080] =	vst v63  }
0x9d: {  	_ = 	snop  }
0x9e: {  	[tilespmem:s13], [sflag:$0x1] =	stream.indirect_vreg.gather [hbm4b:s6+s2], $0x80, v3, vm0, $0xb8;
	[tilespmem:$0x10080] =	vst v63  }
0x9f: {  	_ =	swait.ge [sflag:s19], $0x8000  }
0xa0: {  	[sflag:s19] =	ssyncset.done $0x0  }
0xa1: {  	s0 =	rddreg [dreg:$0x4];
	[sflag:s19] =	ssyncadd.s32 $0xFFFF8000  }
0xa2: {  	[hbm4b:s0+s2] =	stream.linear.scatter [tilespmem:s18], [sflag:$0x3], $0x8000, $0x38;
	[tilespmem:$0x10080] =	vst v63  }
0xa3: {  	_ =	swait.ge [sflag:s8], $0x8000  }
0xa4: {  	[sflag:s8] =	ssyncset.done $0x0  }
0xa5: {  	[sflag:s8] =	ssyncadd.s32 $0xFFFF8000  }
0xa6: {  	v3 =	vld [tilespmem:$0x60];
	_ =	sdelay $0x4  }
0xa7: {  	v62 =	vshll.u32 v3, $0x3  }
0xa8: {  	v3 =	vand.u32 $0x7, v3;
	v4 =	vand.u32 $0xFFFFFFC0, v62  }
0xa9: {  	v3 =	vor.u32 v3, v4  }
0xaa: {  	v4 =	vperm.xlane v3, v0;
	_ =	sdelay $0x1  }
0xab: {  	v4 =	vadd.s32 v1, v4;
	_ =	sdelay $0x4  }
0xac: {  	[tilespmem:s18], [sflag:$0x2] =	stream.indirect_vreg.gather [hbm4b:s3+s2], $0x80, v4, vm0, $0xb8;
	[tilespmem:$0x10080] =	vst v63  }
0xad: {  	v3 =	vperm.xlane v3, v2  }
0xae: {  	[tilespmem:s14], [sflag:$0x2] =	stream.indirect_vreg.gather [hbm4b:s4+s2], $0x80, v4, vm0, $0xb8;
	[tilespmem:$0x10080] =	vst v63  }
0xaf: {  	v3 =	vadd.s32 v1, v3  }
0xb0: {  	[tilespmem:s15], [sflag:$0x2] =	stream.indirect_vreg.gather [hbm4b:s5+s2], $0x80, v4, vm0, $0xb8;
	[tilespmem:$0x10080] =	vst v63  }
0xb1: {  	_ = 	snop  }
0xb2: {  	[tilespmem:s16], [sflag:$0x2] =	stream.indirect_vreg.gather [hbm4b:s6+s2], $0x80, v4, vm0, $0xb8;
	[tilespmem:$0x10080] =	vst v63  }
0xb3: {  	_ = 	snop  }
0xb4: {  	[tilespmem:s17], [sflag:$0x2] =	stream.indirect_vreg.gather [hbm4b:s3+s2], $0x80, v3, vm0, $0xb8;
	[tilespmem:$0x10080] =	vst v63  }
0xb5: {  	s20 =	simm.s32 $0xA880  }
0xb6: {  	[tilespmem:s20], [sflag:$0x2] =	stream.indirect_vreg.gather [hbm4b:s4+s2], $0x80, v3, vm0, $0xb8;
	[tilespmem:$0x10080] =	vst v63  }
0xb7: {  	s20 =	simm.s32 $0xB080  }
0xb8: {  	[tilespmem:s20], [sflag:$0x2] =	stream.indirect_vreg.gather [hbm4b:s5+s2], $0x80, v3, vm0, $0xb8;
	[tilespmem:$0x10080] =	vst v63  }
0xb9: {  	s20 =	simm.s32 $0xB880  }
0xba: {  	[tilespmem:s20], [sflag:$0x2] =	stream.indirect_vreg.gather [hbm4b:s6+s2], $0x80, v3, vm0, $0xb8;
	[tilespmem:$0x10080] =	vst v63  }
0xbb: {  	v3 =	vld [tilespmem:$0x70];
	_ =	sdelay $0x4  }
0xbc: {  	v63 =	vshll.u32 v3, $0x3  }
0xbd: {  	v3 =	vand.u32 $0x7, v3;
	v4 =	vand.u32 $0xFFFFFFC0, v63  }
0xbe: {  	v3 =	vor.u32 v3, v4  }
0xbf: {  	v4 =	vperm.xlane v3, v0;
	_ =	sdelay $0x1  }
0xc0: {  	v4 =	vadd.s32 v1, v4;
	_ =	sdelay $0x3  }
0xc1: {  	s20 =	simm.s32 $0xC080  }
0xc2: {  	[tilespmem:s20], [sflag:$0x2] =	stream.indirect_vreg.gather [hbm4b:s3+s2], $0x80, v4, vm0, $0xb8;
	[tilespmem:$0x10080] =	vst v63  }
0xc3: {  	v3 =	vperm.xlane v3, v2;
	s20 =	simm.s32 $0xC880  }
0xc4: {  	[tilespmem:s20], [sflag:$0x2] =	stream.indirect_vreg.gather [hbm4b:s4+s2], $0x80, v4, vm0, $0xb8;
	[tilespmem:$0x10080] =	vst v63  }
0xc5: {  	v3 =	vadd.s32 v1, v3;
	s20 =	simm.s32 $0xD080  }
0xc6: {  	[tilespmem:s20], [sflag:$0x2] =	stream.indirect_vreg.gather [hbm4b:s5+s2], $0x80, v4, vm0, $0xb8;
	[tilespmem:$0x10080] =	vst v63  }
0xc7: {  	s20 =	simm.s32 $0xD880  }
0xc8: {  	[tilespmem:s20], [sflag:$0x2] =	stream.indirect_vreg.gather [hbm4b:s6+s2], $0x80, v4, vm0, $0xb8;
	[tilespmem:$0x10080] =	vst v63  }
0xc9: {  	s20 =	simm.s32 $0xE080  }
0xca: {  	[tilespmem:s20], [sflag:$0x2] =	stream.indirect_vreg.gather [hbm4b:s3+s2], $0x80, v3, vm0, $0xb8;
	[tilespmem:$0x10080] =	vst v63  }
0xcb: {  	s20 =	simm.s32 $0xE880  }
0xcc: {  	[tilespmem:s20], [sflag:$0x2] =	stream.indirect_vreg.gather [hbm4b:s4+s2], $0x80, v3, vm0, $0xb8;
	[tilespmem:$0x10080] =	vst v63  }
0xcd: {  	s20 =	simm.s32 $0xF080  }
0xce: {  	[tilespmem:s20], [sflag:$0x2] =	stream.indirect_vreg.gather [hbm4b:s5+s2], $0x80, v3, vm0, $0xb8;
	[tilespmem:$0x10080] =	vst v63  }
0xcf: {  	s20 =	simm.s32 $0xF880  }
0xd0: {  	[tilespmem:s20], [sflag:$0x2] =	stream.indirect_vreg.gather [hbm4b:s6+s2], $0x80, v3, vm0, $0xb8;
	[tilespmem:$0x10080] =	vst v63  }
0xd1: {  	_ =	swait.ge [sflag:s9], $0x8000  }
0xd2: {  	[sflag:s9] =	ssyncset.done $0x0  }
0xd3: {  	s0 =	rddreg [dreg:$0x5];
	[sflag:s9] =	ssyncadd.s32 $0xFFFF8000  }
0xd4: {  	[hbm4b:s0+s2] =	stream.linear.scatter [tilespmem:s25], [sflag:$0x3], $0x8000, $0x38;
	[tilespmem:$0x10080] =	vst v63  }
0xd5: {  	_ =	swait.ge [sflag:s8], $0x8000  }
0xd6: {  	[sflag:s8] =	ssyncset.done $0x0  }
0xd7: {  	[sflag:s8] =	ssyncadd.s32 $0xFFFF8000  }
0xd8: {  	_ =	swait.ge [sflag:s19], $0x8000  }
0xd9: {  	p0 =	sne.s32 s7, $0x1;
	[sflag:s19] =	ssyncset.done $0x0  }
.Ltmp0:
0xda: {  	s0 =	rddreg [dreg:$0x6];
	[sflag:s19] =	ssyncadd.s32 $0xFFFF8000;
	(pc) =	sbr.rel @p0 .LBB2_1-.Ltmp0, $4  }
0xdb: {  	[hbm4b:s0+s2] =	stream.linear.scatter [tilespmem:s18], [sflag:$0x3], $0x8000, $0x38;
	[tilespmem:$0x10080] =	vst v63  }
0xdc: {  	_ =	swait.ge [sflag:s8], $0x8000  }
0xdd: {  	[sflag:s8] =	ssyncset.done $0x0  }
0xde: {  	s7 =	sadd.s32 $0xFFFFFFFF, s7;
	[sflag:s8] =	ssyncadd.s32 $0xFFFF8000  }
0xdf: {  	_ =	sfence.sel $0x180000  }
0xe0: {  	[bflag:$0x0] =	sbarrier.arrive $0xFFFF  }
0xe1: {  	_ =	strace $0x9000004A  }
0xe2: {  	s0 =	stileid.u32;
	[bflag:$0x2] =	sbarrier.arrive $0xFFFF  }
0xe3: {  	p0 =	sne.s32 s0, $0x0;
	s0 =	rddreg [dreg:$0x1]  }
0xe4: {  	s0 =	sadd.s32 @!p0 $0x100000, s0  }
0xe5: {  	[sflag:s0] =	ssyncadd.tile.s32 @!p0 $0x1;
	_ =	shalt  }
.Lfunc_end2:
_tile_overlayer_lowered:
.L_overlay_start_2:
0xe6: {  	(tag) =	ssettag $0x2  }
0xe7: {  	s0 =	rddreg [dreg:$0x0];
	s2 =	stileid.u32  }
0xe8: {  	s1 =	rddreg [dreg:$0x1];
	p0 =	sne.s32 s2, $0x0  }
0xe9: {  	s3 =	rddreg [dreg:$0x2];
	[bflag:$0x3] =	sbarrier.arrive $0xFFFF;
	s2 =	simm.s32 @!p0 $0x1C03  }
0xea: {  	[timem:s3], [sflag:s2] =	dma.local @!p0 [hbm:s0], s1  }
0xeb: {  	s0 =	simm.s32 @!p0 $0x3  }
0xec: {  	_ =	swait.ge @!p0 [sflag:s0], s1  }
0xed: {  	s1 =	ssub.s32 @!p0 $0x0, s1;
	[sflag:s0] =	ssyncset.done @!p0 $0x0  }
0xee: {  	[sflag:s0] =	ssyncadd.s32 @!p0 s1  }
0xef: {  	[bflag:$0x3] =	sbarrier.arrive $0xFFFF  }
0xf0: {  	_ =	shalt  }

// kernel: kernel.8.cloned.1.call-start
scs
__scs_entry_jumppad:
0x0: {  	(pc) =	sbr.rel $0x88, $3  }
0x1: {  	(tag) =	ssettag $0x0;
	lr =	simm.s32 $0x1  }
0x2: {  	[smem:$0x3F92] =	sst lr;
	_ =	strace $0xD0000000  }
0x3: {  	_ = 	snop  }
0x4: {  	_ = 	snop  }
0x5: {  	_ = 	snop  }
0x6: {  	_ = 	snop  }
0x7: {  	_ = 	snop  }
__scs_overlays_trampoline_lowered:
0x8: {  	[smem:$0x3FA1] =	sst s0  }
0x9: {  	[smem:$0x3FA2] =	sst s1  }
0xa: {  	[smem:$0x3FA3] =	sst s2  }
0xb: {  	[smem:$0x3FA4] =	sst s3  }
0xc: {  	[smem:$0x3FA5] =	sst s4  }
0xd: {  	[smem:$0x3FA6] =	sst s5  }
0xe: {  	[smem:$0x3FA7] =	sst s6  }
0xf: {  	[smem:$0x3FA8] =	sst s7  }
0x10: {  	[smem:$0x3FA9] =	sst s8  }
0x11: {  	[smem:$0x3FAA] =	sst s9;
	s0 =	simm.s32 @!p0 $0x0  }
0x12: {  	s1 =	sld [smem:$0x3F90];
	s0 =	simm.s32 @p0 $0x1  }
0x13: {  	[smem:$0x3FAB] =	sst s0;
	s0 =	simm.s32 @!p1 $0x0  }
0x14: {  	s2 =	sld [smem:$0x3F8F];
	s0 =	simm.s32 @p1 $0x1  }
0x15: {  	[smem:$0x3FAC] =	sst s0;
	s0 =	simm.s32 @!p2 $0x0  }
0x16: {  	s3 =	sld [smem:$0x3FDB];
	s0 =	simm.s32 @p2 $0x1  }
0x17: {  	s4 =	simm.s32 $0x1BF5;
	[smem:$0x3FAE] =	sst s0  }
0x18: {  	s0 =	sld [smem:$0x3F91];
	_ =	swait.ge [sflag:s4], $0x0  }
0x19: {  	s7 =	sld [smem:$0x3F92]  }
0x1a: {  	s8 =	sadd.s32 $0xFFFFE003, lr  }
0x1b: {  	s9 =	sadd.s32 $0xFFFFFEF7, lr;
	s5 =	simm.s32 $0xFFFFFFFF;
	p2 =	slt.u32 s8, $0xFFFFF086  }
0x1c: {  	p1 =	slt.u32 s9, $0xF7A;
	s5 =	simm.s32 @!p2 $0x0  }
0x1d: {  	s5 =	simm.s32 @p1 $0x1;
	p0 =	seq.s32 s7, s2  }
0x1e: {  	s7 =	smul.u32 @!p0 $0xF7A, s2;
	p2 =	seq.s32 @!p0 s5, $0x0  }
0x1f: {  	s9 =	smul.u32 $0xF7A, s1;
	s8 =	simm.s32 @!p0 $0x1BF5;
	p2 =	por !p2, p0  }
0x20: {  	[sflag:s8] =	ssyncset.s32 @!p0 $0xFFFFF086;
	s6 =	sadd.s32 @!p0 s3, s7;
	s7 =	simm.s32 @!p0 $0x108  }
0x21: {  	s3 =	sadd.s32 s3, s9;
	s6 =	sadd.s32 @!p0 $0x88, s6;
	s7 =	simm.s32 @p2 $0x1082  }
0x22: {  	[simem:s7], [sflag:s8] =	dma.local @!p0 [hbm:s6], $0xF7A  }
0x23: {  	s9 =	sor.u32 $0xD0000000, s2;
	s6 =	simm.s32 $0x108;
	_ =	swait.ge @!p0 [sflag:s8], $0x0  }
0x24: {  	s3 =	sadd.s32 $0x88, s3;
	s6 =	simm.s32 @!p1 $0x1082;
	[sflag:s4] =	ssyncset.s32 $0xFFFFF086  }
0x25: {  	[simem:s6], [sflag:s4] =	dma.local [hbm:s3], $0xF7A  }
0x26: {  	[smem:$0x3F92] =	sst s1;
	(tag) =	ssettag s2;
	_ =	strace s9  }
0x27: {  	s1 =	sld [smem:$0x3FA2]  }
0x28: {  	s2 =	sld [smem:$0x3FA3]  }
0x29: {  	s4 =	sld [smem:$0x3FA5]  }
0x2a: {  	p0 =	seq.s32 s5, $0x0;
	s5 =	sld [smem:$0x3FA6]  }
0x2b: {  	s6 =	sld [smem:$0x3FA7]  }
0x2c: {  	s7 =	sld [smem:$0x3FA8]  }
0x2d: {  	s3 =	simm.s32 $0x108;
	s8 =	sld [smem:$0x3FA9]  }
0x2e: {  	s3 =	simm.s32 @!p0 $0x1082;
	s9 =	sld [smem:$0x3FAA]  }
0x2f: {  	lr =	sadd.s32 s0, s3;
	s0 =	sld [smem:$0x3FA1]  }
0x30: {  	s3 =	sld [smem:$0x3FA4]  }
0x31: {  	[smem:$0x3FAD] =	sst s10  }
0x32: {  	s10 =	sld [smem:$0x3FAB];
	_ =	sdelay $0x3  }
0x33: {  	p0 =	seq.s32 s10, $0x1;
	s10 =	sld [smem:$0x3FAD];
	_ =	sdelay $0x3  }
0x34: {  	[smem:$0x3FAD] =	sst s10  }
0x35: {  	s10 =	sld [smem:$0x3FAC];
	_ =	sdelay $0x3  }
0x36: {  	p1 =	seq.s32 s10, $0x1;
	s10 =	sld [smem:$0x3FAD];
	_ =	sdelay $0x3  }
0x37: {  	[smem:$0x3FAD] =	sst s10  }
0x38: {  	s10 =	sld [smem:$0x3FAE]  }
0x39: {  	_ = 	snop;
	(pc) =	sbr.ind lr, $3  }
0x3a: {  	_ = 	snop  }
0x3b: {  	_ = 	snop  }
0x3c: {  	p2 =	seq.s32 s10, $0x1;
	s10 =	sld [smem:$0x3FAD]  }
0x3d: {  	_ =	shalt  }
0x3e: {  	_ =	shalt  }
0x3f: {  	_ =	shalt  }
0x40: {  	_ =	shalt  }
0x41: {  	_ =	shalt  }
0x42: {  	_ =	shalt  }
0x43: {  	_ =	shalt  }
0x44: {  	_ =	shalt  }
0x45: {  	_ =	shalt  }
0x46: {  	_ =	shalt  }
0x47: {  	_ =	shalt  }
0x48: {  	_ =	shalt  }
0x49: {  	_ =	shalt  }
0x4a: {  	_ =	shalt  }
0x4b: {  	_ =	shalt  }
0x4c: {  	_ =	shalt  }
0x4d: {  	_ =	shalt  }
0x4e: {  	_ =	shalt  }
0x4f: {  	_ =	shalt  }
0x50: {  	_ =	shalt  }
0x51: {  	_ =	shalt  }
0x52: {  	_ =	shalt  }
0x53: {  	_ =	shalt  }
0x54: {  	_ =	shalt  }
0x55: {  	_ =	shalt  }
0x56: {  	_ =	shalt  }
0x57: {  	_ =	shalt  }
0x58: {  	_ =	shalt  }
0x59: {  	_ =	shalt  }
0x5a: {  	_ =	shalt  }
0x5b: {  	_ =	shalt  }
0x5c: {  	_ =	shalt  }
0x5d: {  	_ =	shalt  }
0x5e: {  	_ =	shalt  }
0x5f: {  	_ =	shalt  }
0x60: {  	_ =	shalt  }
0x61: {  	_ =	shalt  }
0x62: {  	_ =	shalt  }
0x63: {  	_ =	shalt  }
0x64: {  	_ =	shalt  }
0x65: {  	_ =	shalt  }
0x66: {  	_ =	shalt  }
0x67: {  	_ =	shalt  }
0x68: {  	_ =	shalt  }
0x69: {  	_ =	shalt  }
0x6a: {  	_ =	shalt  }
0x6b: {  	_ =	shalt  }
0x6c: {  	_ =	shalt  }
0x6d: {  	_ =	shalt  }
0x6e: {  	_ =	shalt  }
0x6f: {  	_ =	shalt  }
0x70: {  	_ =	shalt  }
0x71: {  	_ =	shalt  }
0x72: {  	_ =	shalt  }
0x73: {  	_ =	shalt  }
0x74: {  	_ =	shalt  }
0x75: {  	_ =	shalt  }
0x76: {  	_ =	shalt  }
0x77: {  	_ =	shalt  }
0x78: {  	_ =	shalt  }
0x79: {  	_ =	shalt  }
0x7a: {  	_ =	shalt  }
0x7b: {  	_ =	shalt  }
0x7c: {  	_ =	shalt  }
0x7d: {  	_ =	shalt  }
0x7e: {  	_ =	shalt  }
0x7f: {  	_ =	shalt  }
0x80: {  	_ =	shalt  }
0x81: {  	_ =	shalt  }
0x82: {  	_ =	shalt  }
0x83: {  	_ =	shalt  }
0x84: {  	_ =	shalt  }
0x85: {  	_ =	shalt  }
0x86: {  	_ =	shalt  }
0x87: {  	_ =	shalt  }
.Lfunc_end0:
.L_simem_size_0:
called_computation_lowered:
.L_overlay_start_0:
0x88: {  	s2 =	sld [smem:$0x3FD9]  }
0x89: {  	s3 =	sld [smem:$0x3FFE];
	_ =	sdelay $0x1  }
0x8a: {  	s1 =	srdreg.scid  }
0x8b: {  	s0 =	sand.u32 $0x1, s1  }
0x8c: {  	s17 =	sshll.u32 s0, $0xA;
	s2 =	sadd.s32 s3, s2  }
0x8d: {  	s2 =	sadd.s32 s2, s17  }
0x8e: {  	[smem:$0x3FB9] =	sst s2  }
0x8f: {  	_ = 	snop  }
0x90: {  	s2 =	sld [smem:$0x3FD0];
	(tm) =	ssettm $0x1  }
0x91: {  	s18 =	sld [smem:$0x3FFB];
	_ =	sdelay $0x3  }
0x92: {  	_ =	strace s18  }
0x93: {  	s3 =	sld [smem:$0x3FFC];
	_ =	sdelay $0x3  }
0x94: {  	_ =	strace s3  }
0x95: {  	s3 =	sld [smem:$0x3FFD];
	_ =	sdelay $0x3  }
0x96: {  	_ =	strace s3  }
0x97: {  	_ =	strace $0x8FFFFFFF  }
0x98: {  	s19 =	sld [smem:$0x3FDB];
	_ =	sdelay $0x1  }
0x99: {  	s4 =	simm.s32 $_scs_section_size  }
0x9a: {  	s5 =	simm.s32 $_size__tile_overlayer_lowered;
	s6 =	simm.s32 $_tile_overlayer_lowered  }
0x9b: {  	s22 =	simm.s32 $0x1BFF;
	s21 =	sshll.u32 s6, $0x1;
	s3 =	sadd.s32 s4, s19  }
0x9c: {  	s7 =	simm.s32 $0x0;
	s20 =	sshll.u32 s5, $0x1;
	s5 =	sadd.s32 s21, s3  }
0x9d: {  	[timem:s7], [sflag:s22] =	dma.local [hbm:s5], s20  }
0x9e: {  	_ =	swait.ge [sflag:s22], s20  }
0x9f: {  	s4 =	ssub.s32 $0x0, s20;
	[sflag:s22] =	ssyncset.done $0x0  }
0xa0: {  	[sflag:s22] =	ssyncadd.s32 s4;
	_ =	sdelay $0x1  }
0xa1: {  	s23 =	simm.s32 $0x1B8B  }
0xa2: {  	_ =	swait.ge [sflag:s23], $0x1  }
0xa3: {  	[sflag:s23] =	ssyncset.done $0x0  }
0xa4: {  	s25 =	simm.s32 $0x1B8E;
	s24 =	sld [smem:$0x3FFE];
	[sflag:s23] =	ssyncadd.s32 $0xFFFFFFFF  }
0xa5: {  	s26 =	simm.s32 $execute0_lowered;
	[smem:$0x3FD2] =	sst s25  }
0xa6: {  	s5 =	sshll.u32 s26, $0x1;
	_ =	strace $0x80000046;
	[dreg:$0x1] =	wrdreg $0xFFFFFFFF  }
0xa7: {  	s28 =	simm.s32 $_size_execute0_lowered;
	s3 =	sadd.s32 s3, s5;
	[dreg:$0x0] =	wrdreg $0x0  }
0xa8: {  	s5 =	sshll.u32 s28, $0x1;
	[dreg:$0x2] =	wrdreg s3  }
0xa9: {  	[dreg:$0x3] =	wrdreg s5  }
0xaa: {  	[dreg:$0x4] =	wrdreg $0xC0  }
0xab: {  	_ =	task [dreg:s7], $0x5FFFF  }
0xac: {  	[dreg:$0x1] =	wrdreg $0xFFFFFFFF  }
0xad: {  	[dreg:$0x0] =	wrdreg $0x60  }
0xae: {  	[dreg:$0x2] =	wrdreg s24  }
0xaf: {  	[dreg:$0x3] =	wrdreg s2  }
0xb0: {  	[dreg:$0x4] =	wrdreg $0x9  }
0xb1: {  	_ =	task.clear_ibuf [dreg:s7], $0x5FFFF;
	_ =	strace $0x90000046  }
0xb2: {  	s29 =	simm.s32 $0x9;
	_ =	strace $0x80000048  }
0xb3: {  	_ =	swait.ge [sflag:s29], $0x1  }
0xb4: {  	[sflag:s29] =	ssyncadd.s32 $0xFFFFFFFF  }
0xb5: {  	_ =	strace $0x90000048  }
0xb6: {  	_ =	sfence  }
0xb7: {  	s30 =	sld [smem:$0x0];
	_ =	sdelay $0x2  }
0xb8: {  	s31 =	sshll.u32 s1, $0xD;
	s1 =	sshrl.u32 s1, $0x2  }
0xb9: {  	s3 =	sand.u32 $0x4000, s31;
	s1 =	sadd.s32 s1, s30  }
0xba: {  	s0 =	sor.u32 s3, s0;
	s1 =	sshll.u32 s1, $0x11  }
0xbb: {  	s0 =	sor.u32 s1, s0  }
0xbc: {  	s0 =	sadd.s32 $0x8F2B, s0  }
0xbd: {  	[sflag:s0] =	ssyncadd.remote.s32 $0x1  }
0xbe: {  	_ =	sfence.sel $0xFFFF  }
0xbf: {  	[dreg:$0x0] =	wrdreg $0xFFFFFFFF;
	(pc) =	sbr.abs _section_cstart, $3  }
0xc0: {  	[dreg:$0x1] =	wrdreg $0xFFFFFFFF  }
0xc1: {  	_ =	task.clear_ibuf [dreg:s7], $0x2FFFF;
	_ =	strace $0x9FFFFFFF  }
0xc2: {  	(tm) =	ssettm $0x7FFFFFFF  }
0xc3: {  	_ =	shalt  }
tec
execute0_lowered:
.L_overlay_start_1:
0x0: {  	(tag) =	ssettag $0x1  }
0x1: {  	s0 =	srdreg.scid;
	s1 =	rddreg [dreg:$0x0]  }
0x2: {  	s2 =	stileid.u32;
	s4 =	rddreg [dreg:$0x1]  }
0x3: {  	s9 =	simm.s32 $0x3;
	s24 =	simm.s32 $0x80;
	s25 =	simm.s32 $0x100  }
0x4: {  	s26 =	simm.s32 $0x180;
	s28 =	simm.s32 $0x2200;
	s29 =	simm.s32 $0x2A00  }
0x5: {  	s30 =	simm.s32 $0x3200;
	s31 =	simm.s32 $0x3A00;
	s10 =	simm.s32 $0x4A00  }
0x6: {  	s11 =	simm.s32 $0x5200;
	s12 =	simm.s32 $0x5A00;
	s13 =	simm.s32 $0x6200  }
0x7: {  	s14 =	simm.s32 $0x6A00;
	s15 =	simm.s32 $0x7200;
	s0 =	sand.u32 $0x1, s0  }
0x8: {  	s16 =	simm.s32 $0x8A00;
	s2 =	sshll.u32 s2, $0x8;
	s3 =	sshll.u32 s0, $0x7  }
0x9: {  	s0 =	ssub.s32 $0x2, s0;
	s3 =	sor.u32 s3, s2;
	s2 =	simm.s32 $0x0  }
0xa: {  	s20 =	sshrl.u32 s0, $0x1;
	s5 =	sshrl.u32 s3, $0x3;
	[smem:$0x7FF] =	sst s2  }
0xb: {  	s3 =	sshll.u32 s3, $0x7;
	s0 =	ssub.s32 s0, s20;
	s20 =	simm.s32 $0x2  }
0xc: {  	s5 =	sadd.s32 s5, s1;
	_ =	strace $0x80000047;
	[dreg:$0xa] =	wrdreg s24  }
0xd: {  	s3 =	sand.u32 $0x3C000, s3;
	s8 =	smax.u32 s0, $0x1;
	[dreg:$0xb] =	wrdreg s25  }
0xe: {  	[dreg:$0xc] =	wrdreg s26;
	s26 =	simm.s32 $0x200;
	s24 =	simm.s32 $0x1200  }
0xf: {  	s25 =	simm.s32 $0x1A00;
	s6 =	sadd.s32 $0x2600, s5;
	s7 =	sadd.s32 s4, s3  }
0x10: {  	s17 =	sadd.s32 $0x2604, s5;
	s4 =	sadd.s32 $0x2800, s1;
	[dreg:$0x3] =	wrdreg s6  }
0x11: {  	s19 =	sadd.s32 $0x2608, s5;
	s22 =	sadd.s32 $0x260C, s5;
	[dreg:$0x4] =	wrdreg s17  }
0x12: {  	s5 =	sadd.s32 $0x2900, s1;
	s3 =	simm.s32 $0x7A00;
	[dreg:$0x6] =	wrdreg s19  }
0x13: {  	s18 =	sadd.s32 $0x1000, s7;
	s21 =	sadd.s32 $0x2000, s7;
	[dreg:$0x8] =	wrdreg s22  }
0x14: {  	[dreg:$0xd] =	wrdreg s7;
	s23 =	sadd.s32 $0x3000, s7;
	s6 =	sadd.s32 $0x2A00, s1  }
0x15: {  	v2 =	vlaneseq.u32;
	s7 =	sadd.s32 $0x2B00, s1;
	s19 =	simm.s32 $0x1;
	[dreg:$0x5] =	wrdreg s18  }
0x16: {  	vm0 =	vmmov $0xffff;
	v1 =	vshrl.u32 v2, $0x3;
	s1 =	simm.s32 $0x4200;
	s17 =	simm.s32 $0x9200;
	[dreg:$0x7] =	wrdreg s21  }
0x17: {  	v0 =	vand.u32 $0x7, v2;
	v2 =	vor.u32 $0x8, v2;
	v1 =	vmul.u32 $0x8, v1;
	[dreg:$0x9] =	wrdreg s23;
	s23 =	simm.s32 $0xA00;
	s18 =	simm.s32 $0x9A00  }
.LBB2_1:
0x18: {  	s21 =	rddreg [dreg:$0x3]  }
0x19: {  	[tilespmem:s2], [sflag:$0x3] =	stream.linear.gather [hbm4b:s21+s2], $0x20, $0x38;
	[tilespmem:$0x10200] =	vst v63  }
0x1a: {  	_ =	swait.ge [sflag:s9], $0x20  }
0x1b: {  	[sflag:s9] =	ssyncset.done $0x0  }
0x1c: {  	s22 =	rddreg [dreg:$0xd];
	[sflag:s9] =	ssyncadd.s32 $0xFFFFFFE0  }
0x1d: {  	[tilespmem:s26], [sflag:$0x3] =	stream.linear.gather [hbm4b:s22+s2], $0x8000, $0x38;
	[tilespmem:$0x10200] =	vst v63  }
0x1e: {  	_ =	swait.ge [sflag:s9], $0x8000  }
0x1f: {  	[sflag:s9] =	ssyncset.done $0x0  }
0x20: {  	[sflag:s9] =	ssyncadd.s32 $0xFFFF8000  }
0x21: {  	v3 =	vld [tilespmem:$0x0];
	_ =	sdelay $0x4  }
0x22: {  	v4 =	vshll.u32 v3, $0x3  }
0x23: {  	v3 =	vand.u32 $0x7, v3;
	v4 =	vand.u32 $0xFFFFFFC0, v4  }
0x24: {  	v3 =	vor.u32 v3, v4  }
0x25: {  	v4 =	vperm.xlane v3, v0;
	_ =	sdelay $0x1  }
0x26: {  	v4 =	vadd.s32 v1, v4;
	_ =	sdelay $0x4  }
0x27: {  	[hbm4b:s4+s2] =	stream.indirect_vreg.scatter [tilespmem:s26], [sflag:$0x1], $0x80, v4, vm0, $0xb8;
	[tilespmem:$0x10200] =	vst v63  }
0x28: {  	v3 =	vperm.xlane v3, v2  }
0x29: {  	[hbm4b:s5+s2] =	stream.indirect_vreg.scatter [tilespmem:s23], [sflag:$0x1], $0x80, v4, vm0, $0xb8;
	[tilespmem:$0x10200] =	vst v63  }
0x2a: {  	v3 =	vadd.s32 v1, v3  }
0x2b: {  	[hbm4b:s6+s2] =	stream.indirect_vreg.scatter [tilespmem:s24], [sflag:$0x1], $0x80, v4, vm0, $0xb8;
	[tilespmem:$0x10200] =	vst v63  }
0x2c: {  	_ = 	snop  }
0x2d: {  	[hbm4b:s7+s2] =	stream.indirect_vreg.scatter [tilespmem:s25], [sflag:$0x1], $0x80, v4, vm0, $0xb8;
	[tilespmem:$0x10200] =	vst v63  }
0x2e: {  	_ = 	snop  }
0x2f: {  	[hbm4b:s4+s2] =	stream.indirect_vreg.scatter [tilespmem:s28], [sflag:$0x1], $0x80, v3, vm0, $0xb8;
	[tilespmem:$0x10200] =	vst v63  }
0x30: {  	_ = 	snop  }
0x31: {  	[hbm4b:s5+s2] =	stream.indirect_vreg.scatter [tilespmem:s29], [sflag:$0x1], $0x80, v3, vm0, $0xb8;
	[tilespmem:$0x10200] =	vst v63  }
0x32: {  	_ = 	snop  }
0x33: {  	[hbm4b:s6+s2] =	stream.indirect_vreg.scatter [tilespmem:s30], [sflag:$0x1], $0x80, v3, vm0, $0xb8;
	[tilespmem:$0x10200] =	vst v63  }
0x34: {  	_ = 	snop  }
0x35: {  	[hbm4b:s7+s2] =	stream.indirect_vreg.scatter [tilespmem:s31], [sflag:$0x1], $0x80, v3, vm0, $0xb8;
	[tilespmem:$0x10200] =	vst v63  }
0x36: {  	v3 =	vld [tilespmem:$0x10];
	_ =	sdelay $0x4  }
0x37: {  	v57 =	vshll.u32 v3, $0x3  }
0x38: {  	v3 =	vand.u32 $0x7, v3;
	v4 =	vand.u32 $0xFFFFFFC0, v57  }
0x39: {  	v3 =	vor.u32 v3, v4  }
0x3a: {  	v4 =	vperm.xlane v3, v0;
	_ =	sdelay $0x1  }
0x3b: {  	v4 =	vadd.s32 v1, v4;
	_ =	sdelay $0x4  }
0x3c: {  	[hbm4b:s4+s2] =	stream.indirect_vreg.scatter [tilespmem:s1], [sflag:$0x1], $0x80, v4, vm0, $0xb8;
	[tilespmem:$0x10200] =	vst v63  }
0x3d: {  	v3 =	vperm.xlane v3, v2  }
0x3e: {  	[hbm4b:s5+s2] =	stream.indirect_vreg.scatter [tilespmem:s10], [sflag:$0x1], $0x80, v4, vm0, $0xb8;
	[tilespmem:$0x10200] =	vst v63  }
0x3f: {  	v3 =	vadd.s32 v1, v3  }
0x40: {  	[hbm4b:s6+s2] =	stream.indirect_vreg.scatter [tilespmem:s11], [sflag:$0x1], $0x80, v4, vm0, $0xb8;
	[tilespmem:$0x10200] =	vst v63  }
0x41: {  	_ = 	snop  }
0x42: {  	[hbm4b:s7+s2] =	stream.indirect_vreg.scatter [tilespmem:s12], [sflag:$0x1], $0x80, v4, vm0, $0xb8;
	[tilespmem:$0x10200] =	vst v63  }
0x43: {  	_ = 	snop  }
0x44: {  	[hbm4b:s4+s2] =	stream.indirect_vreg.scatter [tilespmem:s13], [sflag:$0x1], $0x80, v3, vm0, $0xb8;
	[tilespmem:$0x10200] =	vst v63  }
0x45: {  	_ = 	snop  }
0x46: {  	[hbm4b:s5+s2] =	stream.indirect_vreg.scatter [tilespmem:s14], [sflag:$0x1], $0x80, v3, vm0, $0xb8;
	[tilespmem:$0x10200] =	vst v63  }
0x47: {  	_ = 	snop  }
0x48: {  	[hbm4b:s6+s2] =	stream.indirect_vreg.scatter [tilespmem:s15], [sflag:$0x1], $0x80, v3, vm0, $0xb8;
	[tilespmem:$0x10200] =	vst v63  }
0x49: {  	s0 =	rddreg [dreg:$0x4]  }
0x4a: {  	[hbm4b:s7+s2] =	stream.indirect_vreg.scatter [tilespmem:s3], [sflag:$0x1], $0x80, v3, vm0, $0xb8;
	[tilespmem:$0x10200] =	vst v63  }
0x4b: {  	s22 =	rddreg [dreg:$0xa]  }
0x4c: {  	[tilespmem:s22], [sflag:$0x3] =	stream.linear.gather [hbm4b:s0+s2], $0x20, $0x38;
	[tilespmem:$0x10200] =	vst v63  }
0x4d: {  	_ =	swait.ge [sflag:s9], $0x20  }
0x4e: {  	[sflag:s9] =	ssyncset.done $0x0  }
0x4f: {  	s0 =	simm.s32 $0x8200;
	s22 =	rddreg [dreg:$0x5];
	[sflag:s9] =	ssyncadd.s32 $0xFFFFFFE0  }
0x50: {  	[tilespmem:s0], [sflag:$0x3] =	stream.linear.gather [hbm4b:s22+s2], $0x8000, $0x38;
	[tilespmem:$0x10200] =	vst v63  }
0x51: {  	_ =	swait.ge [sflag:s9], $0x8000  }
0x52: {  	[sflag:s9] =	ssyncset.done $0x0  }
0x53: {  	[sflag:s9] =	ssyncadd.s32 $0xFFFF8000  }
0x54: {  	v3 =	vld [tilespmem:$0x80];
	_ =	sdelay $0x4  }
0x55: {  	v58 =	vshll.u32 v3, $0x3  }
0x56: {  	v3 =	vand.u32 $0x7, v3;
	v4 =	vand.u32 $0xFFFFFFC0, v58  }
0x57: {  	v3 =	vor.u32 v3, v4  }
0x58: {  	v4 =	vperm.xlane v3, v0;
	_ =	sdelay $0x1  }
0x59: {  	v4 =	vadd.s32 v1, v4;
	_ =	sdelay $0x4  }
0x5a: {  	[hbm4b:s4+s2] =	stream.indirect_vreg.scatter [tilespmem:s0], [sflag:$0x2], $0x80, v4, vm0, $0xb8;
	[tilespmem:$0x10200] =	vst v63  }
0x5b: {  	v3 =	vperm.xlane v3, v2  }
0x5c: {  	[hbm4b:s5+s2] =	stream.indirect_vreg.scatter [tilespmem:s16], [sflag:$0x2], $0x80, v4, vm0, $0xb8;
	[tilespmem:$0x10200] =	vst v63  }
0x5d: {  	v3 =	vadd.s32 v1, v3  }
0x5e: {  	[hbm4b:s6+s2] =	stream.indirect_vreg.scatter [tilespmem:s17], [sflag:$0x2], $0x80, v4, vm0, $0xb8;
	[tilespmem:$0x10200] =	vst v63  }
0x5f: {  	_ = 	snop  }
0x60: {  	[hbm4b:s7+s2] =	stream.indirect_vreg.scatter [tilespmem:s18], [sflag:$0x2], $0x80, v4, vm0, $0xb8;
	[tilespmem:$0x10200] =	vst v63  }
0x61: {  	s22 =	simm.s32 $0xA200  }
0x62: {  	[hbm4b:s4+s2] =	stream.indirect_vreg.scatter [tilespmem:s22], [sflag:$0x2], $0x80, v3, vm0, $0xb8;
	[tilespmem:$0x10200] =	vst v63  }
0x63: {  	s22 =	simm.s32 $0xAA00  }
0x64: {  	[hbm4b:s5+s2] =	stream.indirect_vreg.scatter [tilespmem:s22], [sflag:$0x2], $0x80, v3, vm0, $0xb8;
	[tilespmem:$0x10200] =	vst v63  }
0x65: {  	s22 =	simm.s32 $0xB200  }
0x66: {  	[hbm4b:s6+s2] =	stream.indirect_vreg.scatter [tilespmem:s22], [sflag:$0x2], $0x80, v3, vm0, $0xb8;
	[tilespmem:$0x10200] =	vst v63  }
0x67: {  	s22 =	simm.s32 $0xBA00  }
0x68: {  	[hbm4b:s7+s2] =	stream.indirect_vreg.scatter [tilespmem:s22], [sflag:$0x2], $0x80, v3, vm0, $0xb8;
	[tilespmem:$0x10200] =	vst v63  }
0x69: {  	v3 =	vld [tilespmem:$0x90];
	_ =	sdelay $0x4  }
0x6a: {  	v59 =	vshll.u32 v3, $0x3  }
0x6b: {  	v3 =	vand.u32 $0x7, v3;
	v4 =	vand.u32 $0xFFFFFFC0, v59  }
0x6c: {  	v3 =	vor.u32 v3, v4  }
0x6d: {  	v4 =	vperm.xlane v3, v0;
	_ =	sdelay $0x1  }
0x6e: {  	v4 =	vadd.s32 v1, v4;
	_ =	sdelay $0x3  }
0x6f: {  	s22 =	simm.s32 $0xC200  }
0x70: {  	[hbm4b:s4+s2] =	stream.indirect_vreg.scatter [tilespmem:s22], [sflag:$0x2], $0x80, v4, vm0, $0xb8;
	[tilespmem:$0x10200] =	vst v63  }
0x71: {  	v3 =	vperm.xlane v3, v2;
	s22 =	simm.s32 $0xCA00  }
0x72: {  	[hbm4b:s5+s2] =	stream.indirect_vreg.scatter [tilespmem:s22], [sflag:$0x2], $0x80, v4, vm0, $0xb8;
	[tilespmem:$0x10200] =	vst v63  }
0x73: {  	v3 =	vadd.s32 v1, v3;
	s22 =	simm.s32 $0xD200  }
0x74: {  	[hbm4b:s6+s2] =	stream.indirect_vreg.scatter [tilespmem:s22], [sflag:$0x2], $0x80, v4, vm0, $0xb8;
	[tilespmem:$0x10200] =	vst v63  }
0x75: {  	s22 =	simm.s32 $0xDA00  }
0x76: {  	[hbm4b:s7+s2] =	stream.indirect_vreg.scatter [tilespmem:s22], [sflag:$0x2], $0x80, v4, vm0, $0xb8;
	[tilespmem:$0x10200] =	vst v63  }
0x77: {  	s22 =	simm.s32 $0xE200  }
0x78: {  	[hbm4b:s4+s2] =	stream.indirect_vreg.scatter [tilespmem:s22], [sflag:$0x2], $0x80, v3, vm0, $0xb8;
	[tilespmem:$0x10200] =	vst v63  }
0x79: {  	s22 =	simm.s32 $0xEA00  }
0x7a: {  	[hbm4b:s5+s2] =	stream.indirect_vreg.scatter [tilespmem:s22], [sflag:$0x2], $0x80, v3, vm0, $0xb8;
	[tilespmem:$0x10200] =	vst v63  }
0x7b: {  	s22 =	simm.s32 $0xF200  }
0x7c: {  	[hbm4b:s6+s2] =	stream.indirect_vreg.scatter [tilespmem:s22], [sflag:$0x2], $0x80, v3, vm0, $0xb8;
	[tilespmem:$0x10200] =	vst v63  }
0x7d: {  	s22 =	simm.s32 $0xFA00  }
0x7e: {  	[hbm4b:s7+s2] =	stream.indirect_vreg.scatter [tilespmem:s22], [sflag:$0x2], $0x80, v3, vm0, $0xb8;
	[tilespmem:$0x10200] =	vst v63  }
0x7f: {  	_ =	swait.ge [sflag:s19], $0x8000  }
0x80: {  	s21 =	rddreg [dreg:$0x6];
	[sflag:s19] =	ssyncset.done $0x0  }
0x81: {  	s22 =	rddreg [dreg:$0xb];
	[sflag:s19] =	ssyncadd.s32 $0xFFFF8000  }
0x82: {  	[tilespmem:s22], [sflag:$0x3] =	stream.linear.gather [hbm4b:s21+s2], $0x20, $0x38;
	[tilespmem:$0x10200] =	vst v63  }
0x83: {  	_ =	swait.ge [sflag:s9], $0x20  }
0x84: {  	[sflag:s9] =	ssyncset.done $0x0  }
0x85: {  	s22 =	rddreg [dreg:$0x7];
	[sflag:s9] =	ssyncadd.s32 $0xFFFFFFE0  }
0x86: {  	[tilespmem:s26], [sflag:$0x3] =	stream.linear.gather [hbm4b:s22+s2], $0x8000, $0x38;
	[tilespmem:$0x10200] =	vst v63  }
0x87: {  	_ =	swait.ge [sflag:s9], $0x8000  }
0x88: {  	[sflag:s9] =	ssyncset.done $0x0  }
0x89: {  	[sflag:s9] =	ssyncadd.s32 $0xFFFF8000  }
0x8a: {  	v3 =	vld [tilespmem:$0x100];
	_ =	sdelay $0x4  }
0x8b: {  	v60 =	vshll.u32 v3, $0x3  }
0x8c: {  	v3 =	vand.u32 $0x7, v3;
	v4 =	vand.u32 $0xFFFFFFC0, v60  }
0x8d: {  	v3 =	vor.u32 v3, v4  }
0x8e: {  	v4 =	vperm.xlane v3, v0;
	_ =	sdelay $0x1  }
0x8f: {  	v4 =	vadd.s32 v1, v4;
	_ =	sdelay $0x4  }
0x90: {  	[hbm4b:s4+s2] =	stream.indirect_vreg.scatter [tilespmem:s26], [sflag:$0x1], $0x80, v4, vm0, $0xb8;
	[tilespmem:$0x10200] =	vst v63  }
0x91: {  	v3 =	vperm.xlane v3, v2  }
0x92: {  	[hbm4b:s5+s2] =	stream.indirect_vreg.scatter [tilespmem:s23], [sflag:$0x1], $0x80, v4, vm0, $0xb8;
	[tilespmem:$0x10200] =	vst v63  }
0x93: {  	v3 =	vadd.s32 v1, v3  }
0x94: {  	[hbm4b:s6+s2] =	stream.indirect_vreg.scatter [tilespmem:s24], [sflag:$0x1], $0x80, v4, vm0, $0xb8;
	[tilespmem:$0x10200] =	vst v63  }
0x95: {  	_ = 	snop  }
0x96: {  	[hbm4b:s7+s2] =	stream.indirect_vreg.scatter [tilespmem:s25], [sflag:$0x1], $0x80, v4, vm0, $0xb8;
	[tilespmem:$0x10200] =	vst v63  }
0x97: {  	_ = 	snop  }
0x98: {  	[hbm4b:s4+s2] =	stream.indirect_vreg.scatter [tilespmem:s28], [sflag:$0x1], $0x80, v3, vm0, $0xb8;
	[tilespmem:$0x10200] =	vst v63  }
0x99: {  	_ = 	snop  }
0x9a: {  	[hbm4b:s5+s2] =	stream.indirect_vreg.scatter [tilespmem:s29], [sflag:$0x1], $0x80, v3, vm0, $0xb8;
	[tilespmem:$0x10200] =	vst v63  }
0x9b: {  	_ = 	snop  }
0x9c: {  	[hbm4b:s6+s2] =	stream.indirect_vreg.scatter [tilespmem:s30], [sflag:$0x1], $0x80, v3, vm0, $0xb8;
	[tilespmem:$0x10200] =	vst v63  }
0x9d: {  	_ = 	snop  }
0x9e: {  	[hbm4b:s7+s2] =	stream.indirect_vreg.scatter [tilespmem:s31], [sflag:$0x1], $0x80, v3, vm0, $0xb8;
	[tilespmem:$0x10200] =	vst v63  }
0x9f: {  	v3 =	vld [tilespmem:$0x110];
	_ =	sdelay $0x4  }
0xa0: {  	v61 =	vshll.u32 v3, $0x3  }
0xa1: {  	v3 =	vand.u32 $0x7, v3;
	v4 =	vand.u32 $0xFFFFFFC0, v61  }
0xa2: {  	v3 =	vor.u32 v3, v4  }
0xa3: {  	v4 =	vperm.xlane v3, v0;
	_ =	sdelay $0x1  }
0xa4: {  	v4 =	vadd.s32 v1, v4;
	_ =	sdelay $0x4  }
0xa5: {  	[hbm4b:s4+s2] =	stream.indirect_vreg.scatter [tilespmem:s1], [sflag:$0x1], $0x80, v4, vm0, $0xb8;
	[tilespmem:$0x10200] =	vst v63  }
0xa6: {  	v3 =	vperm.xlane v3, v2  }
0xa7: {  	[hbm4b:s5+s2] =	stream.indirect_vreg.scatter [tilespmem:s10], [sflag:$0x1], $0x80, v4, vm0, $0xb8;
	[tilespmem:$0x10200] =	vst v63  }
0xa8: {  	v3 =	vadd.s32 v1, v3  }
0xa9: {  	[hbm4b:s6+s2] =	stream.indirect_vreg.scatter [tilespmem:s11], [sflag:$0x1], $0x80, v4, vm0, $0xb8;
	[tilespmem:$0x10200] =	vst v63  }
0xaa: {  	_ = 	snop  }
0xab: {  	[hbm4b:s7+s2] =	stream.indirect_vreg.scatter [tilespmem:s12], [sflag:$0x1], $0x80, v4, vm0, $0xb8;
	[tilespmem:$0x10200] =	vst v63  }
0xac: {  	_ = 	snop  }
0xad: {  	[hbm4b:s4+s2] =	stream.indirect_vreg.scatter [tilespmem:s13], [sflag:$0x1], $0x80, v3, vm0, $0xb8;
	[tilespmem:$0x10200] =	vst v63  }
0xae: {  	_ = 	snop  }
0xaf: {  	[hbm4b:s5+s2] =	stream.indirect_vreg.scatter [tilespmem:s14], [sflag:$0x1], $0x80, v3, vm0, $0xb8;
	[tilespmem:$0x10200] =	vst v63  }
0xb0: {  	_ = 	snop  }
0xb1: {  	[hbm4b:s6+s2] =	stream.indirect_vreg.scatter [tilespmem:s15], [sflag:$0x1], $0x80, v3, vm0, $0xb8;
	[tilespmem:$0x10200] =	vst v63  }
0xb2: {  	_ = 	snop  }
0xb3: {  	[hbm4b:s7+s2] =	stream.indirect_vreg.scatter [tilespmem:s3], [sflag:$0x1], $0x80, v3, vm0, $0xb8;
	[tilespmem:$0x10200] =	vst v63  }
0xb4: {  	_ =	swait.ge [sflag:s20], $0x8000  }
0xb5: {  	s21 =	rddreg [dreg:$0x8];
	[sflag:s20] =	ssyncset.done $0x0  }
0xb6: {  	s22 =	rddreg [dreg:$0xc];
	[sflag:s20] =	ssyncadd.s32 $0xFFFF8000  }
0xb7: {  	[tilespmem:s22], [sflag:$0x3] =	stream.linear.gather [hbm4b:s21+s2], $0x20, $0x38;
	[tilespmem:$0x10200] =	vst v63  }
0xb8: {  	_ =	swait.ge [sflag:s9], $0x20  }
0xb9: {  	[sflag:s9] =	ssyncset.done $0x0  }
0xba: {  	s22 =	rddreg [dreg:$0x9];
	[sflag:s9] =	ssyncadd.s32 $0xFFFFFFE0  }
0xbb: {  	[tilespmem:s0], [sflag:$0x3] =	stream.linear.gather [hbm4b:s22+s2], $0x8000, $0x38;
	[tilespmem:$0x10200] =	vst v63  }
0xbc: {  	_ =	swait.ge [sflag:s9], $0x8000  }
0xbd: {  	[sflag:s9] =	ssyncset.done $0x0  }
0xbe: {  	[sflag:s9] =	ssyncadd.s32 $0xFFFF8000  }
0xbf: {  	v3 =	vld [tilespmem:$0x180];
	_ =	sdelay $0x4  }
0xc0: {  	v62 =	vshll.u32 v3, $0x3  }
0xc1: {  	v3 =	vand.u32 $0x7, v3;
	v4 =	vand.u32 $0xFFFFFFC0, v62  }
0xc2: {  	v3 =	vor.u32 v3, v4  }
0xc3: {  	v4 =	vperm.xlane v3, v0;
	_ =	sdelay $0x1  }
0xc4: {  	v4 =	vadd.s32 v1, v4;
	_ =	sdelay $0x4  }
0xc5: {  	[hbm4b:s4+s2] =	stream.indirect_vreg.scatter [tilespmem:s0], [sflag:$0x2], $0x80, v4, vm0, $0xb8;
	[tilespmem:$0x10200] =	vst v63  }
0xc6: {  	v3 =	vperm.xlane v3, v2  }
0xc7: {  	[hbm4b:s5+s2] =	stream.indirect_vreg.scatter [tilespmem:s16], [sflag:$0x2], $0x80, v4, vm0, $0xb8;
	[tilespmem:$0x10200] =	vst v63  }
0xc8: {  	v3 =	vadd.s32 v1, v3  }
0xc9: {  	[hbm4b:s6+s2] =	stream.indirect_vreg.scatter [tilespmem:s17], [sflag:$0x2], $0x80, v4, vm0, $0xb8;
	[tilespmem:$0x10200] =	vst v63  }
0xca: {  	_ = 	snop  }
0xcb: {  	[hbm4b:s7+s2] =	stream.indirect_vreg.scatter [tilespmem:s18], [sflag:$0x2], $0x80, v4, vm0, $0xb8;
	[tilespmem:$0x10200] =	vst v63  }
0xcc: {  	s21 =	simm.s32 $0xA200  }
0xcd: {  	[hbm4b:s4+s2] =	stream.indirect_vreg.scatter [tilespmem:s21], [sflag:$0x2], $0x80, v3, vm0, $0xb8;
	[tilespmem:$0x10200] =	vst v63  }
0xce: {  	s22 =	simm.s32 $0xAA00  }
0xcf: {  	[hbm4b:s5+s2] =	stream.indirect_vreg.scatter [tilespmem:s22], [sflag:$0x2], $0x80, v3, vm0, $0xb8;
	[tilespmem:$0x10200] =	vst v63  }
0xd0: {  	s21 =	simm.s32 $0xB200  }
0xd1: {  	[hbm4b:s6+s2] =	stream.indirect_vreg.scatter [tilespmem:s21], [sflag:$0x2], $0x80, v3, vm0, $0xb8;
	[tilespmem:$0x10200] =	vst v63  }
0xd2: {  	s22 =	simm.s32 $0xBA00  }
0xd3: {  	[hbm4b:s7+s2] =	stream.indirect_vreg.scatter [tilespmem:s22], [sflag:$0x2], $0x80, v3, vm0, $0xb8;
	[tilespmem:$0x10200] =	vst v63  }
0xd4: {  	v3 =	vld [tilespmem:$0x190];
	_ =	sdelay $0x4  }
0xd5: {  	v63 =	vshll.u32 v3, $0x3  }
0xd6: {  	v3 =	vand.u32 $0x7, v3;
	v4 =	vand.u32 $0xFFFFFFC0, v63  }
0xd7: {  	v3 =	vor.u32 v3, v4  }
0xd8: {  	v4 =	vperm.xlane v3, v0;
	_ =	sdelay $0x1  }
0xd9: {  	v4 =	vadd.s32 v1, v4;
	_ =	sdelay $0x3  }
0xda: {  	s21 =	simm.s32 $0xC200  }
0xdb: {  	[hbm4b:s4+s2] =	stream.indirect_vreg.scatter [tilespmem:s21], [sflag:$0x2], $0x80, v4, vm0, $0xb8;
	[tilespmem:$0x10200] =	vst v63  }
0xdc: {  	s22 =	simm.s32 $0xCA00;
	v3 =	vperm.xlane v3, v2  }
0xdd: {  	[hbm4b:s5+s2] =	stream.indirect_vreg.scatter [tilespmem:s22], [sflag:$0x2], $0x80, v4, vm0, $0xb8;
	[tilespmem:$0x10200] =	vst v63  }
0xde: {  	v3 =	vadd.s32 v1, v3;
	s21 =	simm.s32 $0xD200  }
0xdf: {  	[hbm4b:s6+s2] =	stream.indirect_vreg.scatter [tilespmem:s21], [sflag:$0x2], $0x80, v4, vm0, $0xb8;
	[tilespmem:$0x10200] =	vst v63  }
0xe0: {  	s22 =	simm.s32 $0xDA00  }
0xe1: {  	[hbm4b:s7+s2] =	stream.indirect_vreg.scatter [tilespmem:s22], [sflag:$0x2], $0x80, v4, vm0, $0xb8;
	[tilespmem:$0x10200] =	vst v63  }
0xe2: {  	s21 =	simm.s32 $0xE200  }
0xe3: {  	[hbm4b:s4+s2] =	stream.indirect_vreg.scatter [tilespmem:s21], [sflag:$0x2], $0x80, v3, vm0, $0xb8;
	[tilespmem:$0x10200] =	vst v63  }
0xe4: {  	s22 =	simm.s32 $0xEA00  }
0xe5: {  	[hbm4b:s5+s2] =	stream.indirect_vreg.scatter [tilespmem:s22], [sflag:$0x2], $0x80, v3, vm0, $0xb8;
	[tilespmem:$0x10200] =	vst v63  }
0xe6: {  	s21 =	simm.s32 $0xF200  }
0xe7: {  	[hbm4b:s6+s2] =	stream.indirect_vreg.scatter [tilespmem:s21], [sflag:$0x2], $0x80, v3, vm0, $0xb8;
	[tilespmem:$0x10200] =	vst v63  }
0xe8: {  	s22 =	simm.s32 $0xFA00  }
0xe9: {  	[hbm4b:s7+s2] =	stream.indirect_vreg.scatter [tilespmem:s22], [sflag:$0x2], $0x80, v3, vm0, $0xb8;
	[tilespmem:$0x10200] =	vst v63  }
0xea: {  	p0 =	sne.s32 s8, $0x1;
	_ =	swait.ge [sflag:s19], $0x8000  }
.Ltmp0:
0xeb: {  	[sflag:s19] =	ssyncset.done $0x0;
	(pc) =	sbr.rel @p0 .LBB2_1-.Ltmp0, $4  }
0xec: {  	[sflag:s19] =	ssyncadd.s32 $0xFFFF8000  }
0xed: {  	_ =	swait.ge [sflag:s20], $0x8000  }
0xee: {  	[sflag:s20] =	ssyncset.done $0x0  }
0xef: {  	s8 =	sadd.s32 $0xFFFFFFFF, s8;
	[sflag:s20] =	ssyncadd.s32 $0xFFFF8000  }
0xf0: {  	_ =	sfence.sel $0x180000  }
0xf1: {  	[bflag:$0x0] =	sbarrier.arrive $0xFFFF  }
0xf2: {  	_ =	strace $0x90000047  }
0xf3: {  	s0 =	stileid.u32;
	[bflag:$0x2] =	sbarrier.arrive $0xFFFF  }
0xf4: {  	p0 =	sne.s32 s0, $0x0;
	s0 =	rddreg [dreg:$0x2]  }
0xf5: {  	s0 =	sadd.s32 @!p0 $0x100000, s0  }
0xf6: {  	[sflag:s0] =	ssyncadd.tile.s32 @!p0 $0x1;
	_ =	shalt  }
.Lfunc_end2:
_tile_overlayer_lowered:
.L_overlay_start_2:
0xf7: {  	(tag) =	ssettag $0x2  }
0xf8: {  	s0 =	rddreg [dreg:$0x0];
	s2 =	stileid.u32  }
0xf9: {  	s1 =	rddreg [dreg:$0x1];
	p0 =	sne.s32 s2, $0x0  }
0xfa: {  	s3 =	rddreg [dreg:$0x2];
	[bflag:$0x3] =	sbarrier.arrive $0xFFFF;
	s2 =	simm.s32 @!p0 $0x1C03  }
0xfb: {  	[timem:s3], [sflag:s2] =	dma.local @!p0 [hbm:s0], s1  }
0xfc: {  	s0 =	simm.s32 @!p0 $0x3  }
0xfd: {  	_ =	swait.ge @!p0 [sflag:s0], s1  }
0xfe: {  	s1 =	ssub.s32 @!p0 $0x0, s1;
	[sflag:s0] =	ssyncset.done @!p0 $0x0  }
0xff: {  	[sflag:s0] =	ssyncadd.s32 @!p0 s1  }
0x100: {  	[bflag:$0x3] =	sbarrier.arrive $0xFFFF  }
0x101: {  	_ =	shalt  }

</sc_bundles>
